<compile_context>
chip_gen: v7x
topology: tpu7x:2x2x1
jax: 0.10.2.dev20260603
libtpu: 0.0.44.dev20260713+nightly
codegen_flags: <defaults>
</compile_context>

<pallas_src>
import functools

import jax
import jax.numpy as jnp
from jax import lax
from jax.experimental import pallas as pl
from jax.experimental.pallas import tpu as pltpu
from jax.experimental.pallas import tpu_sc as plsc

_D = 64
_B_TOTAL = 4096 * 200

_info = plsc.get_sparse_core_info()
_NC, _NS = _info.num_cores, _info.num_subcores
_NW = _NC * _NS
_B_PER_W = _B_TOTAL // _NW
_CHUNK = 256
_NCHUNKS = _B_PER_W // _CHUNK
_NBUF = 4
_DI = 4
_DG = 2


def _embed_body(idx_hbm, table_hbm, out_hbm, idx_v, rows_v, isem, gsem, osem):
    wid = lax.axis_index("s") * _NC + lax.axis_index("c")
    base = wid * _B_PER_W

    def idx_copy(g, slot):
        return pltpu.make_async_copy(idx_hbm.at[wid, g], idx_v.at[slot],
                                     isem.at[slot])

    def gather(slot):
        return pltpu.make_async_copy(table_hbm.at[idx_v.at[slot]],
                                     rows_v.at[slot], gsem.at[slot])

    def out_copy(g, slot):
        return pltpu.make_async_copy(
            rows_v.at[slot], out_hbm.at[pl.ds(base + g * _CHUNK, _CHUNK)],
            osem.at[slot])

    for g in range(_DI):
        idx_copy(g, g % _NBUF).start()
    for g in range(_DG):
        idx_copy(g, g % _NBUF).wait()
        gather(g % _NBUF).start()

    def step(i, carry):
        g0 = i * _NBUF
        for j in range(_NBUF):
            g = g0 + j
            gather(j).wait()
            out_copy(g, j).start()
            gi = g + _DI

            @pl.when(gi < _NCHUNKS)
            def _():
                idx_copy(gi, j).start()

            gg = g + _DG
            gslot = (j + _DG) % _NBUF

            @pl.when(gg < _NCHUNKS)
            def _():
                @pl.when(gg >= _NBUF)
                def _():
                    out_copy(0, gslot).wait()
                idx_copy(0, gslot).wait()
                gather(gslot).start()

        return carry

    lax.fori_loop(0, _NCHUNKS // _NBUF, step, 0)

    for j in range(_NBUF):
        out_copy(0, j).wait()


_mesh = plsc.VectorSubcoreMesh(core_axis_name="c", subcore_axis_name="s")

_embed = functools.partial(
    pl.kernel,
    mesh=_mesh,
    out_type=jax.ShapeDtypeStruct((_B_TOTAL, _D), jnp.float32),
    scratch_types=[
        pltpu.VMEM((_NBUF, _CHUNK), jnp.int32),
        pltpu.VMEM((_NBUF, _CHUNK, _D), jnp.float32),
        pltpu.SemaphoreType.DMA((_NBUF,)),
        pltpu.SemaphoreType.DMA((_NBUF,)),
        pltpu.SemaphoreType.DMA((_NBUF,)),
    ],
    compiler_params=pltpu.CompilerParams(use_tc_tiling_on_sc=False),
)(_embed_body)


@jax.jit
def kernel(actions, table):
    idx = actions.reshape(_NW, _NCHUNKS, _CHUNK).astype(jnp.int32)
    out = _embed(idx, table)
    return out.reshape(actions.shape[0], actions.shape[1], _D)

# --- scband reference (transcript-rebuilt; emitter-appended) ---
"""Pipeline reference for scband-action-embedding-23819888623871 (READ-ONLY COPY).

The authoritative reference and input builder live on the scoring server;
editing this copy changes nothing except your own understanding.
"""

import jax, jax.numpy as jnp
import numpy as np

NUM_ACTIONS = 100000
EMBEDDING_DIM = 64
BATCH = 4096
SEQ_LEN = 200

def setup_inputs(seed: int = 0) -> dict:
    key = jax.random.key(seed)
    k_idx, k_tab = jax.random.split(key)
    actions = jax.random.randint(k_idx, (BATCH, SEQ_LEN), 0, NUM_ACTIONS, dtype=jnp.int64 if jax.config.jax_enable_x64 else jnp.int32)
    # embedding table ~ nn.Embedding default init: N(0, 1)
    table = jax.random.normal(k_tab, (NUM_ACTIONS, EMBEDDING_DIM), dtype=jnp.float32)
    return {"actions": actions, "table": table}

def reference(actions, table):
    # Faithful translation of ActionEmbedding.forward: embedding lookup
    return jnp.take(table, actions, axis=0)

if __name__ == "__main__":
    import jax
    _d = setup_inputs()
    print(jax.jit(kernel)(*tuple(_d.values())))

</pallas_src>

<mosaic_0001>
#map = affine_map<(d0, d1) -> (0, 0, 0)>
#map1 = affine_map<(d0, d1) -> (0, 0)>
module attributes {stable_mosaic.version = 14 : i64} {
  func.func @_embed_body(%arg0: i32, %arg1: i32, %arg2: memref<32x100x256xi32, #tpu.memory_space<hbm>>, %arg3: memref<100000x64xf32, #tpu.memory_space<hbm>>, %arg4: memref<819200x64xf32, #tpu.memory_space<hbm>>, %arg5: memref<4x256xi32, #tpu.memory_space<vmem>>, %arg6: memref<4x256x64xf32, #tpu.memory_space<vmem>>, %arg7: memref<4x!tpu.dma_semaphore, #tpu.memory_space<semaphore_mem>>, %arg8: memref<4x!tpu.dma_semaphore, #tpu.memory_space<semaphore_mem>>, %arg9: memref<4x!tpu.dma_semaphore, #tpu.memory_space<semaphore_mem>>) attributes {dimension_semantics = [#tpu.dimension_semantics<core_parallel>, #tpu.dimension_semantics<subcore_parallel>], iteration_bounds = array<i64: 2, 16>, scalar_prefetch = 0 : i64, scratch_operands = 5 : i64, tpu.core_type = #tpu.core_type<sc_vector_subcore>, window_params = [{transform_indices = #map}, {transform_indices = #map1}, {transform_indices = #map1}]} {
    %mul3A = arith.constant 2 : i32
    %mul3A_0 = arith.muli %arg1, %mul3A : i32
    %add3A = arith.addi %mul3A_0, %arg0 : i32
    %mul3A_1 = arith.constant 25600 : i32
    %mul3A_2 = arith.muli %add3A, %mul3A_1 : i32
    %dma_start3A = arith.constant 0 : i32
    %dma_start3A_3 = arith.constant 0 : i32
    %dma_start3A_4 = arith.constant 0 : i32
    %dma_start3A_5 = arith.constant 0 : i32
    %dma_start3A_6 = tpu.memref_slice %arg5[%dma_start3A_3, %dma_start3A_5] : memref<4x256xi32, #tpu.memory_space<vmem>> -> memref<1x256xi32, #tpu.memory_space<vmem>>
    %dma_start3A_7 = tpu.memref_squeeze %dma_start3A_6 : memref<1x256xi32, #tpu.memory_space<vmem>> -> memref<256xi32, #tpu.memory_space<vmem>>
    %dma_start3A_8 = arith.constant 0 : i32
    %dma_start3A_9 = tpu.memref_slice %arg2[%add3A, %dma_start3A, %dma_start3A_8] : memref<32x100x256xi32, #tpu.memory_space<hbm>> -> memref<1x1x256xi32, #tpu.memory_space<hbm>>
    %dma_start3A_10 = tpu.memref_squeeze %dma_start3A_9 : memref<1x1x256xi32, #tpu.memory_space<hbm>> -> memref<256xi32, #tpu.memory_space<hbm>>
    %dma_start3A_11 = tpu.memref_slice %arg7[%dma_start3A_4] : memref<4x!tpu.dma_semaphore, #tpu.memory_space<semaphore_mem>> -> memref<1x!tpu.dma_semaphore, #tpu.memory_space<semaphore_mem>>
    %dma_start3A_12 = tpu.memref_squeeze %dma_start3A_11 : memref<1x!tpu.dma_semaphore, #tpu.memory_space<semaphore_mem>> -> memref<!tpu.dma_semaphore, #tpu.memory_space<semaphore_mem>>
    %dma_start3A_13 = arith.constant 0 : i32
    %dma_start3A_14 = tpu.memref_slice %arg5[%dma_start3A_3, %dma_start3A_13] : memref<4x256xi32, #tpu.memory_space<vmem>> -> memref<1x256xi32, #tpu.memory_space<vmem>>
    %dma_start3A_15 = tpu.memref_squeeze %dma_start3A_14 : memref<1x256xi32, #tpu.memory_space<vmem>> -> memref<256xi32, #tpu.memory_space<vmem>>
    %dma_start3A_16 = arith.constant 0 : i32
    %dma_start3A_17 = tpu.memref_slice %arg2[%add3A, %dma_start3A, %dma_start3A_16] : memref<32x100x256xi32, #tpu.memory_space<hbm>> -> memref<1x1x256xi32, #tpu.memory_space<hbm>>
    %dma_start3A_18 = tpu.memref_squeeze %dma_start3A_17 : memref<1x1x256xi32, #tpu.memory_space<hbm>> -> memref<256xi32, #tpu.memory_space<hbm>>
    tpu.enqueue_dma source(%dma_start3A_18 : memref<256xi32, #tpu.memory_space<hbm>>) target(%dma_start3A_15 : memref<256xi32, #tpu.memory_space<vmem>>) target_semaphore(%dma_start3A_12 : memref<!tpu.dma_semaphore, #tpu.memory_space<semaphore_mem>>)
    %dma_start3A_19 = arith.constant 1 : i32
    %dma_start3A_20 = arith.constant 1 : i32
    %dma_start3A_21 = arith.constant 1 : i32
    %dma_start3A_22 = arith.constant 0 : i32
    %dma_start3A_23 = tpu.memref_slice %arg5[%dma_start3A_20, %dma_start3A_22] : memref<4x256xi32, #tpu.memory_space<vmem>> -> memref<1x256xi32, #tpu.memory_space<vmem>>
    %dma_start3A_24 = tpu.memref_squeeze %dma_start3A_23 : memref<1x256xi32, #tpu.memory_space<vmem>> -> memref<256xi32, #tpu.memory_space<vmem>>
    %dma_start3A_25 = arith.constant 0 : i32
    %dma_start3A_26 = tpu.memref_slice %arg2[%add3A, %dma_start3A_19, %dma_start3A_25] : memref<32x100x256xi32, #tpu.memory_space<hbm>> -> memref<1x1x256xi32, #tpu.memory_space<hbm>>
    %dma_start3A_27 = tpu.memref_squeeze %dma_start3A_26 : memref<1x1x256xi32, #tpu.memory_space<hbm>> -> memref<256xi32, #tpu.memory_space<hbm>>
    %dma_start3A_28 = tpu.memref_slice %arg7[%dma_start3A_21] : memref<4x!tpu.dma_semaphore, #tpu.memory_space<semaphore_mem>> -> memref<1x!tpu.dma_semaphore, #tpu.memory_space<semaphore_mem>>
    %dma_start3A_29 = tpu.memref_squeeze %dma_start3A_28 : memref<1x!tpu.dma_semaphore, #tpu.memory_space<semaphore_mem>> -> memref<!tpu.dma_semaphore, #tpu.memory_space<semaphore_mem>>
    %dma_start3A_30 = arith.constant 0 : i32
    %dma_start3A_31 = tpu.memref_slice %arg5[%dma_start3A_20, %dma_start3A_30] : memref<4x256xi32, #tpu.memory_space<vmem>> -> memref<1x256xi32, #tpu.memory_space<vmem>>
    %dma_start3A_32 = tpu.memref_squeeze %dma_start3A_31 : memref<1x256xi32, #tpu.memory_space<vmem>> -> memref<256xi32, #tpu.memory_space<vmem>>
    %dma_start3A_33 = arith.constant 0 : i32
    %dma_start3A_34 = tpu.memref_slice %arg2[%add3A, %dma_start3A_19, %dma_start3A_33] : memref<32x100x256xi32, #tpu.memory_space<hbm>> -> memref<1x1x256xi32, #tpu.memory_space<hbm>>
    %dma_start3A_35 = tpu.memref_squeeze %dma_start3A_34 : memref<1x1x256xi32, #tpu.memory_space<hbm>> -> memref<256xi32, #tpu.memory_space<hbm>>
    tpu.enqueue_dma source(%dma_start3A_35 : memref<256xi32, #tpu.memory_space<hbm>>) target(%dma_start3A_32 : memref<256xi32, #tpu.memory_space<vmem>>) target_semaphore(%dma_start3A_29 : memref<!tpu.dma_semaphore, #tpu.memory_space<semaphore_mem>>)
    %dma_start3A_36 = arith.constant 2 : i32
    %dma_start3A_37 = arith.constant 2 : i32
    %dma_start3A_38 = arith.constant 2 : i32
    %dma_start3A_39 = arith.constant 0 : i32
    %dma_start3A_40 = tpu.memref_slice %arg5[%dma_start3A_37, %dma_start3A_39] : memref<4x256xi32, #tpu.memory_space<vmem>> -> memref<1x256xi32, #tpu.memory_space<vmem>>
    %dma_start3A_41 = tpu.memref_squeeze %dma_start3A_40 : memref<1x256xi32, #tpu.memory_space<vmem>> -> memref<256xi32, #tpu.memory_space<vmem>>
    %dma_start3A_42 = arith.constant 0 : i32
    %dma_start3A_43 = tpu.memref_slice %arg2[%add3A, %dma_start3A_36, %dma_start3A_42] : memref<32x100x256xi32, #tpu.memory_space<hbm>> -> memref<1x1x256xi32, #tpu.memory_space<hbm>>
    %dma_start3A_44 = tpu.memref_squeeze %dma_start3A_43 : memref<1x1x256xi32, #tpu.memory_space<hbm>> -> memref<256xi32, #tpu.memory_space<hbm>>
    %dma_start3A_45 = tpu.memref_slice %arg7[%dma_start3A_38] : memref<4x!tpu.dma_semaphore, #tpu.memory_space<semaphore_mem>> -> memref<1x!tpu.dma_semaphore, #tpu.memory_space<semaphore_mem>>
    %dma_start3A_46 = tpu.memref_squeeze %dma_start3A_45 : memref<1x!tpu.dma_semaphore, #tpu.memory_space<semaphore_mem>> -> memref<!tpu.dma_semaphore, #tpu.memory_space<semaphore_mem>>
    %dma_start3A_47 = arith.constant 0 : i32
    %dma_start3A_48 = tpu.memref_slice %arg5[%dma_start3A_37, %dma_start3A_47] : memref<4x256xi32, #tpu.memory_space<vmem>> -> memref<1x256xi32, #tpu.memory_space<vmem>>
    %dma_start3A_49 = tpu.memref_squeeze %dma_start3A_48 : memref<1x256xi32, #tpu.memory_space<vmem>> -> memref<256xi32, #tpu.memory_space<vmem>>
    %dma_start3A_50 = arith.constant 0 : i32
    %dma_start3A_51 = tpu.memref_slice %arg2[%add3A, %dma_start3A_36, %dma_start3A_50] : memref<32x100x256xi32, #tpu.memory_space<hbm>> -> memref<1x1x256xi32, #tpu.memory_space<hbm>>
    %dma_start3A_52 = tpu.memref_squeeze %dma_start3A_51 : memref<1x1x256xi32, #tpu.memory_space<hbm>> -> memref<256xi32, #tpu.memory_space<hbm>>
    tpu.enqueue_dma source(%dma_start3A_52 : memref<256xi32, #tpu.memory_space<hbm>>) target(%dma_start3A_49 : memref<256xi32, #tpu.memory_space<vmem>>) target_semaphore(%dma_start3A_46 : memref<!tpu.dma_semaphore, #tpu.memory_space<semaphore_mem>>)
    %dma_start3A_53 = arith.constant 3 : i32
    %dma_start3A_54 = arith.constant 3 : i32
    %dma_start3A_55 = arith.constant 3 : i32
    %dma_start3A_56 = arith.constant 0 : i32
    %dma_start3A_57 = tpu.memref_slice %arg5[%dma_start3A_54, %dma_start3A_56] : memref<4x256xi32, #tpu.memory_space<vmem>> -> memref<1x256xi32, #tpu.memory_space<vmem>>
    %dma_start3A_58 = tpu.memref_squeeze %dma_start3A_57 : memref<1x256xi32, #tpu.memory_space<vmem>> -> memref<256xi32, #tpu.memory_space<vmem>>
    %dma_start3A_59 = arith.constant 0 : i32
    %dma_start3A_60 = tpu.memref_slice %arg2[%add3A, %dma_start3A_53, %dma_start3A_59] : memref<32x100x256xi32, #tpu.memory_space<hbm>> -> memref<1x1x256xi32, #tpu.memory_space<hbm>>
    %dma_start3A_61 = tpu.memref_squeeze %dma_start3A_60 : memref<1x1x256xi32, #tpu.memory_space<hbm>> -> memref<256xi32, #tpu.memory_space<hbm>>
    %dma_start3A_62 = tpu.memref_slice %arg7[%dma_start3A_55] : memref<4x!tpu.dma_semaphore, #tpu.memory_space<semaphore_mem>> -> memref<1x!tpu.dma_semaphore, #tpu.memory_space<semaphore_mem>>
    %dma_start3A_63 = tpu.memref_squeeze %dma_start3A_62 : memref<1x!tpu.dma_semaphore, #tpu.memory_space<semaphore_mem>> -> memref<!tpu.dma_semaphore, #tpu.memory_space<semaphore_mem>>
    %dma_start3A_64 = arith.constant 0 : i32
    %dma_start3A_65 = tpu.memref_slice %arg5[%dma_start3A_54, %dma_start3A_64] : memref<4x256xi32, #tpu.memory_space<vmem>> -> memref<1x256xi32, #tpu.memory_space<vmem>>
    %dma_start3A_66 = tpu.memref_squeeze %dma_start3A_65 : memref<1x256xi32, #tpu.memory_space<vmem>> -> memref<256xi32, #tpu.memory_space<vmem>>
    %dma_start3A_67 = arith.constant 0 : i32
    %dma_start3A_68 = tpu.memref_slice %arg2[%add3A, %dma_start3A_53, %dma_start3A_67] : memref<32x100x256xi32, #tpu.memory_space<hbm>> -> memref<1x1x256xi32, #tpu.memory_space<hbm>>
    %dma_start3A_69 = tpu.memref_squeeze %dma_start3A_68 : memref<1x1x256xi32, #tpu.memory_space<hbm>> -> memref<256xi32, #tpu.memory_space<hbm>>
    tpu.enqueue_dma source(%dma_start3A_69 : memref<256xi32, #tpu.memory_space<hbm>>) target(%dma_start3A_66 : memref<256xi32, #tpu.memory_space<vmem>>) target_semaphore(%dma_start3A_63 : memref<!tpu.dma_semaphore, #tpu.memory_space<semaphore_mem>>)
    %dma_wait3A = arith.constant 0 : i32
    %dma_wait3A_70 = arith.constant 0 : i32
    %dma_wait3A_71 = arith.constant 0 : i32
    %dma_wait3A_72 = arith.constant 0 : i32
    %dma_wait3A_73 = tpu.memref_slice %arg5[%dma_wait3A_70, %dma_wait3A_72] : memref<4x256xi32, #tpu.memory_space<vmem>> -> memref<1x256xi32, #tpu.memory_space<vmem>>
    %dma_wait3A_74 = tpu.memref_squeeze %dma_wait3A_73 : memref<1x256xi32, #tpu.memory_space<vmem>> -> memref<256xi32, #tpu.memory_space<vmem>>
    %dma_wait3A_75 = arith.constant 0 : i32
    %dma_wait3A_76 = tpu.memref_slice %arg2[%add3A, %dma_wait3A, %dma_wait3A_75] : memref<32x100x256xi32, #tpu.memory_space<hbm>> -> memref<1x1x256xi32, #tpu.memory_space<hbm>>
    %dma_wait3A_77 = tpu.memref_squeeze %dma_wait3A_76 : memref<1x1x256xi32, #tpu.memory_space<hbm>> -> memref<256xi32, #tpu.memory_space<hbm>>
    %dma_wait3A_78 = tpu.memref_slice %arg7[%dma_wait3A_71] : memref<4x!tpu.dma_semaphore, #tpu.memory_space<semaphore_mem>> -> memref<1x!tpu.dma_semaphore, #tpu.memory_space<semaphore_mem>>
    %dma_wait3A_79 = tpu.memref_squeeze %dma_wait3A_78 : memref<1x!tpu.dma_semaphore, #tpu.memory_space<semaphore_mem>> -> memref<!tpu.dma_semaphore, #tpu.memory_space<semaphore_mem>>
    %dma_wait3A_80 = arith.constant 0 : i32
    %dma_wait3A_81 = tpu.memref_slice %arg5[%dma_wait3A_70, %dma_wait3A_80] : memref<4x256xi32, #tpu.memory_space<vmem>> -> memref<1x256xi32, #tpu.memory_space<vmem>>
    %dma_wait3A_82 = tpu.memref_squeeze %dma_wait3A_81 : memref<1x256xi32, #tpu.memory_space<vmem>> -> memref<256xi32, #tpu.memory_space<vmem>>
    %dma_wait3A_83 = arith.constant 0 : i32
    %dma_wait3A_84 = tpu.memref_slice %arg2[%add3A, %dma_wait3A, %dma_wait3A_83] : memref<32x100x256xi32, #tpu.memory_space<hbm>> -> memref<1x1x256xi32, #tpu.memory_space<hbm>>
    %dma_wait3A_85 = tpu.memref_squeeze %dma_wait3A_84 : memref<1x1x256xi32, #tpu.memory_space<hbm>> -> memref<256xi32, #tpu.memory_space<hbm>>
    tpu.wait_dma2 semaphore(%dma_wait3A_79 : memref<!tpu.dma_semaphore, #tpu.memory_space<semaphore_mem>>) src(%dma_wait3A_85 : memref<256xi32, #tpu.memory_space<hbm>>) dst(%dma_wait3A_82 : memref<256xi32, #tpu.memory_space<vmem>>)
    %dma_start3A_86 = arith.constant 0 : i32
    %dma_start3A_87 = arith.constant 0 : i32
    %dma_start3A_88 = arith.constant 0 : i32
    %dma_start3A_89 = arith.constant 0 : i32
    %dma_start3A_90 = arith.constant 0 : i32
    %dma_start3A_91 = tpu.memref_slice %arg6[%dma_start3A_87, %dma_start3A_89, %dma_start3A_90] : memref<4x256x64xf32, #tpu.memory_space<vmem>> -> memref<1x256x64xf32, #tpu.memory_space<vmem>>
    %dma_start3A_92 = tpu.memref_squeeze %dma_start3A_91 : memref<1x256x64xf32, #tpu.memory_space<vmem>> -> memref<256x64xf32, #tpu.memory_space<vmem>>
    %dma_start3A_93 = arith.constant 0 : i32
    %dma_start3A_94 = tpu.memref_slice %arg5[%dma_start3A_86, %dma_start3A_93] : memref<4x256xi32, #tpu.memory_space<vmem>> -> memref<1x256xi32, #tpu.memory_space<vmem>>
    %dma_start3A_95 = tpu.memref_squeeze %dma_start3A_94 : memref<1x256xi32, #tpu.memory_space<vmem>> -> memref<256xi32, #tpu.memory_space<vmem>>
    %dma_start3A_96 = arith.constant 0 : i32
    %dma_start3A_97 = arith.constant 0 : i32
    %dma_start3A_98 = tpu.memref_slice %arg3[%dma_start3A_96, %dma_start3A_97] : memref<100000x64xf32, #tpu.memory_space<hbm>> -> memref<100000x64xf32, #tpu.memory_space<hbm>>
    %dma_start3A_99 = tpu.memref_slice %arg8[%dma_start3A_88] : memref<4x!tpu.dma_semaphore, #tpu.memory_space<semaphore_mem>> -> memref<1x!tpu.dma_semaphore, #tpu.memory_space<semaphore_mem>>
    %dma_start3A_100 = tpu.memref_squeeze %dma_start3A_99 : memref<1x!tpu.dma_semaphore, #tpu.memory_space<semaphore_mem>> -> memref<!tpu.dma_semaphore, #tpu.memory_space<semaphore_mem>>
    tpu.enqueue_indirect_dma source(%dma_start3A_98 : memref<100000x64xf32, #tpu.memory_space<hbm>>) target(%dma_start3A_92 : memref<256x64xf32, #tpu.memory_space<vmem>>) offsets(%dma_start3A_95 : memref<256xi32, #tpu.memory_space<vmem>>) semaphore(%dma_start3A_100 : memref<!tpu.dma_semaphore, #tpu.memory_space<semaphore_mem>>)
    %dma_wait3A_101 = arith.constant 1 : i32
    %dma_wait3A_102 = arith.constant 1 : i32
    %dma_wait3A_103 = arith.constant 1 : i32
    %dma_wait3A_104 = arith.constant 0 : i32
    %dma_wait3A_105 = tpu.memref_slice %arg5[%dma_wait3A_102, %dma_wait3A_104] : memref<4x256xi32, #tpu.memory_space<vmem>> -> memref<1x256xi32, #tpu.memory_space<vmem>>
    %dma_wait3A_106 = tpu.memref_squeeze %dma_wait3A_105 : memref<1x256xi32, #tpu.memory_space<vmem>> -> memref<256xi32, #tpu.memory_space<vmem>>
    %dma_wait3A_107 = arith.constant 0 : i32
    %dma_wait3A_108 = tpu.memref_slice %arg2[%add3A, %dma_wait3A_101, %dma_wait3A_107] : memref<32x100x256xi32, #tpu.memory_space<hbm>> -> memref<1x1x256xi32, #tpu.memory_space<hbm>>
    %dma_wait3A_109 = tpu.memref_squeeze %dma_wait3A_108 : memref<1x1x256xi32, #tpu.memory_space<hbm>> -> memref<256xi32, #tpu.memory_space<hbm>>
    %dma_wait3A_110 = tpu.memref_slice %arg7[%dma_wait3A_103] : memref<4x!tpu.dma_semaphore, #tpu.memory_space<semaphore_mem>> -> memref<1x!tpu.dma_semaphore, #tpu.memory_space<semaphore_mem>>
    %dma_wait3A_111 = tpu.memref_squeeze %dma_wait3A_110 : memref<1x!tpu.dma_semaphore, #tpu.memory_space<semaphore_mem>> -> memref<!tpu.dma_semaphore, #tpu.memory_space<semaphore_mem>>
    %dma_wait3A_112 = arith.constant 0 : i32
    %dma_wait3A_113 = tpu.memref_slice %arg5[%dma_wait3A_102, %dma_wait3A_112] : memref<4x256xi32, #tpu.memory_space<vmem>> -> memref<1x256xi32, #tpu.memory_space<vmem>>
    %dma_wait3A_114 = tpu.memref_squeeze %dma_wait3A_113 : memref<1x256xi32, #tpu.memory_space<vmem>> -> memref<256xi32, #tpu.memory_space<vmem>>
    %dma_wait3A_115 = arith.constant 0 : i32
    %dma_wait3A_116 = tpu.memref_slice %arg2[%add3A, %dma_wait3A_101, %dma_wait3A_115] : memref<32x100x256xi32, #tpu.memory_space<hbm>> -> memref<1x1x256xi32, #tpu.memory_space<hbm>>
    %dma_wait3A_117 = tpu.memref_squeeze %dma_wait3A_116 : memref<1x1x256xi32, #tpu.memory_space<hbm>> -> memref<256xi32, #tpu.memory_space<hbm>>
    tpu.wait_dma2 semaphore(%dma_wait3A_111 : memref<!tpu.dma_semaphore, #tpu.memory_space<semaphore_mem>>) src(%dma_wait3A_117 : memref<256xi32, #tpu.memory_space<hbm>>) dst(%dma_wait3A_114 : memref<256xi32, #tpu.memory_space<vmem>>)
    %dma_start3A_118 = arith.constant 1 : i32
    %dma_start3A_119 = arith.constant 1 : i32
    %dma_start3A_120 = arith.constant 1 : i32
    %dma_start3A_121 = arith.constant 0 : i32
    %dma_start3A_122 = arith.constant 0 : i32
    %dma_start3A_123 = tpu.memref_slice %arg6[%dma_start3A_119, %dma_start3A_121, %dma_start3A_122] : memref<4x256x64xf32, #tpu.memory_space<vmem>> -> memref<1x256x64xf32, #tpu.memory_space<vmem>>
    %dma_start3A_124 = tpu.memref_squeeze %dma_start3A_123 : memref<1x256x64xf32, #tpu.memory_space<vmem>> -> memref<256x64xf32, #tpu.memory_space<vmem>>
    %dma_start3A_125 = arith.constant 0 : i32
    %dma_start3A_126 = tpu.memref_slice %arg5[%dma_start3A_118, %dma_start3A_125] : memref<4x256xi32, #tpu.memory_space<vmem>> -> memref<1x256xi32, #tpu.memory_space<vmem>>
    %dma_start3A_127 = tpu.memref_squeeze %dma_start3A_126 : memref<1x256xi32, #tpu.memory_space<vmem>> -> memref<256xi32, #tpu.memory_space<vmem>>
    %dma_start3A_128 = arith.constant 0 : i32
    %dma_start3A_129 = arith.constant 0 : i32
    %dma_start3A_130 = tpu.memref_slice %arg3[%dma_start3A_128, %dma_start3A_129] : memref<100000x64xf32, #tpu.memory_space<hbm>> -> memref<100000x64xf32, #tpu.memory_space<hbm>>
    %dma_start3A_131 = tpu.memref_slice %arg8[%dma_start3A_120] : memref<4x!tpu.dma_semaphore, #tpu.memory_space<semaphore_mem>> -> memref<1x!tpu.dma_semaphore, #tpu.memory_space<semaphore_mem>>
    %dma_start3A_132 = tpu.memref_squeeze %dma_start3A_131 : memref<1x!tpu.dma_semaphore, #tpu.memory_space<semaphore_mem>> -> memref<!tpu.dma_semaphore, #tpu.memory_space<semaphore_mem>>
    tpu.enqueue_indirect_dma source(%dma_start3A_130 : memref<100000x64xf32, #tpu.memory_space<hbm>>) target(%dma_start3A_124 : memref<256x64xf32, #tpu.memory_space<vmem>>) offsets(%dma_start3A_127 : memref<256xi32, #tpu.memory_space<vmem>>) semaphore(%dma_start3A_132 : memref<!tpu.dma_semaphore, #tpu.memory_space<semaphore_mem>>)
    %scan3A = arith.constant 0 : i32
    %scan3A_133 = arith.constant 0 : i32
    %scan3A_134 = arith.constant 25 : i32
    %scan3A_135 = arith.addi %scan3A_133, %scan3A_134 : i32
    %scan3A_136 = arith.constant 1 : i32
    scf.for %scan3A_210 = %scan3A_133 to %scan3A_135 step %scan3A_136  : i32 {
      %mul3A_211 = arith.constant 4 : i32
      %mul3A_212 = arith.muli %scan3A_210, %mul3A_211 : i32
      %add3A_213 = arith.constant 0 : i32
      %add3A_214 = arith.addi %mul3A_212, %add3A_213 : i32
      %dma_wait3A_215 = arith.constant 0 : i32
      %dma_wait3A_216 = arith.constant 0 : i32
      %dma_wait3A_217 = arith.constant 0 : i32
      %dma_wait3A_218 = arith.constant 0 : i32
      %dma_wait3A_219 = arith.constant 0 : i32
      %dma_wait3A_220 = tpu.memref_slice %arg6[%dma_wait3A_216, %dma_wait3A_218, %dma_wait3A_219] : memref<4x256x64xf32, #tpu.memory_space<vmem>> -> memref<1x256x64xf32, #tpu.memory_space<vmem>>
      %dma_wait3A_221 = tpu.memref_squeeze %dma_wait3A_220 : memref<1x256x64xf32, #tpu.memory_space<vmem>> -> memref<256x64xf32, #tpu.memory_space<vmem>>
      %dma_wait3A_222 = arith.constant 0 : i32
      %dma_wait3A_223 = tpu.memref_slice %arg5[%dma_wait3A_215, %dma_wait3A_222] : memref<4x256xi32, #tpu.memory_space<vmem>> -> memref<1x256xi32, #tpu.memory_space<vmem>>
      %dma_wait3A_224 = tpu.memref_squeeze %dma_wait3A_223 : memref<1x256xi32, #tpu.memory_space<vmem>> -> memref<256xi32, #tpu.memory_space<vmem>>
      %dma_wait3A_225 = arith.constant 0 : i32
      %dma_wait3A_226 = arith.constant 0 : i32
      %dma_wait3A_227 = tpu.memref_slice %arg3[%dma_wait3A_225, %dma_wait3A_226] : memref<100000x64xf32, #tpu.memory_space<hbm>> -> memref<100000x64xf32, #tpu.memory_space<hbm>>
      %dma_wait3A_228 = tpu.memref_slice %arg8[%dma_wait3A_217] : memref<4x!tpu.dma_semaphore, #tpu.memory_space<semaphore_mem>> -> memref<1x!tpu.dma_semaphore, #tpu.memory_space<semaphore_mem>>
      %dma_wait3A_229 = tpu.memref_squeeze %dma_wait3A_228 : memref<1x!tpu.dma_semaphore, #tpu.memory_space<semaphore_mem>> -> memref<!tpu.dma_semaphore, #tpu.memory_space<semaphore_mem>>
      tpu.wait_indirect_dma semaphore(%dma_wait3A_229 : memref<!tpu.dma_semaphore, #tpu.memory_space<semaphore_mem>>) src(%dma_wait3A_227 : memref<100000x64xf32, #tpu.memory_space<hbm>>) dst(%dma_wait3A_221 : memref<256x64xf32, #tpu.memory_space<vmem>>)
      %mul3A_230 = arith.constant 256 : i32
      %mul3A_231 = arith.muli %add3A_214, %mul3A_230 : i32
      %add3A_232 = arith.addi %mul3A_2, %mul3A_231 : i32
      %dma_start3A_233 = arith.constant 0 : i32
      %dma_start3A_234 = arith.constant 0 : i32
      %dma_start3A_235 = arith.constant 0 : i32
      %dma_start3A_236 = arith.constant 0 : i32
      %dma_start3A_237 = tpu.memref_slice %arg6[%dma_start3A_233, %dma_start3A_235, %dma_start3A_236] : memref<4x256x64xf32, #tpu.memory_space<vmem>> -> memref<1x256x64xf32, #tpu.memory_space<vmem>>
      %dma_start3A_238 = tpu.memref_squeeze %dma_start3A_237 : memref<1x256x64xf32, #tpu.memory_space<vmem>> -> memref<256x64xf32, #tpu.memory_space<vmem>>
      %dma_start3A_239 = arith.constant 0 : i32
      %dma_start3A_240 = tpu.memref_slice %arg4[%add3A_232, %dma_start3A_239] : memref<819200x64xf32, #tpu.memory_space<hbm>> -> memref<256x64xf32, #tpu.memory_space<hbm>>
      %dma_start3A_241 = tpu.memref_slice %arg9[%dma_start3A_234] : memref<4x!tpu.dma_semaphore, #tpu.memory_space<semaphore_mem>> -> memref<1x!tpu.dma_semaphore, #tpu.memory_space<semaphore_mem>>
      %dma_start3A_242 = tpu.memref_squeeze %dma_start3A_241 : memref<1x!tpu.dma_semaphore, #tpu.memory_space<semaphore_mem>> -> memref<!tpu.dma_semaphore, #tpu.memory_space<semaphore_mem>>
      %dma_start3A_243 = arith.constant 0 : i32
      %dma_start3A_244 = tpu.memref_slice %arg4[%add3A_232, %dma_start3A_243] : memref<819200x64xf32, #tpu.memory_space<hbm>> -> memref<256x64xf32, #tpu.memory_space<hbm>>
      %dma_start3A_245 = arith.constant 0 : i32
      %dma_start3A_246 = arith.constant 0 : i32
      %dma_start3A_247 = tpu.memref_slice %arg6[%dma_start3A_233, %dma_start3A_245, %dma_start3A_246] : memref<4x256x64xf32, #tpu.memory_space<vmem>> -> memref<1x256x64xf32, #tpu.memory_space<vmem>>
      %dma_start3A_248 = tpu.memref_squeeze %dma_start3A_247 : memref<1x256x64xf32, #tpu.memory_space<vmem>> -> memref<256x64xf32, #tpu.memory_space<vmem>>
      tpu.enqueue_dma source(%dma_start3A_248 : memref<256x64xf32, #tpu.memory_space<vmem>>) target(%dma_start3A_244 : memref<256x64xf32, #tpu.memory_space<hbm>>) target_semaphore(%dma_start3A_242 : memref<!tpu.dma_semaphore, #tpu.memory_space<semaphore_mem>>)
      %add3A_249 = arith.constant 4 : i32
      %add3A_250 = arith.addi %add3A_214, %add3A_249 : i32
      %lt3A = arith.constant 100 : i32
      %lt3A_251 = arith.cmpi slt, %add3A_250, %lt3A : i32
      %convert_element_type3A = arith.extui %lt3A_251 : i1 to i32
      %cond3A = arith.constant 0 : i32
      %cond3A_252 = arith.cmpi ne, %convert_element_type3A, %cond3A : i32
      scf.if %cond3A_252 {
        %dma_start3A_410 = arith.constant 0 : i32
        %dma_start3A_411 = arith.constant 0 : i32
        %dma_start3A_412 = arith.constant 0 : i32
        %dma_start3A_413 = tpu.memref_slice %arg5[%dma_start3A_410, %dma_start3A_412] : memref<4x256xi32, #tpu.memory_space<vmem>> -> memref<1x256xi32, #tpu.memory_space<vmem>>
        %dma_start3A_414 = tpu.memref_squeeze %dma_start3A_413 : memref<1x256xi32, #tpu.memory_space<vmem>> -> memref<256xi32, #tpu.memory_space<vmem>>
        %dma_start3A_415 = arith.constant 0 : i32
        %dma_start3A_416 = tpu.memref_slice %arg2[%add3A, %add3A_250, %dma_start3A_415] : memref<32x100x256xi32, #tpu.memory_space<hbm>> -> memref<1x1x256xi32, #tpu.memory_space<hbm>>
        %dma_start3A_417 = tpu.memref_squeeze %dma_start3A_416 : memref<1x1x256xi32, #tpu.memory_space<hbm>> -> memref<256xi32, #tpu.memory_space<hbm>>
        %dma_start3A_418 = tpu.memref_slice %arg7[%dma_start3A_411] : memref<4x!tpu.dma_semaphore, #tpu.memory_space<semaphore_mem>> -> memref<1x!tpu.dma_semaphore, #tpu.memory_space<semaphore_mem>>
        %dma_start3A_419 = tpu.memref_squeeze %dma_start3A_418 : memref<1x!tpu.dma_semaphore, #tpu.memory_space<semaphore_mem>> -> memref<!tpu.dma_semaphore, #tpu.memory_space<semaphore_mem>>
        %dma_start3A_420 = arith.constant 0 : i32
        %dma_start3A_421 = tpu.memref_slice %arg5[%dma_start3A_410, %dma_start3A_420] : memref<4x256xi32, #tpu.memory_space<vmem>> -> memref<1x256xi32, #tpu.memory_space<vmem>>
        %dma_start3A_422 = tpu.memref_squeeze %dma_start3A_421 : memref<1x256xi32, #tpu.memory_space<vmem>> -> memref<256xi32, #tpu.memory_space<vmem>>
        %dma_start3A_423 = arith.constant 0 : i32
        %dma_start3A_424 = tpu.memref_slice %arg2[%add3A, %add3A_250, %dma_start3A_423] : memref<32x100x256xi32, #tpu.memory_space<hbm>> -> memref<1x1x256xi32, #tpu.memory_space<hbm>>
        %dma_start3A_425 = tpu.memref_squeeze %dma_start3A_424 : memref<1x1x256xi32, #tpu.memory_space<hbm>> -> memref<256xi32, #tpu.memory_space<hbm>>
        tpu.enqueue_dma source(%dma_start3A_425 : memref<256xi32, #tpu.memory_space<hbm>>) target(%dma_start3A_422 : memref<256xi32, #tpu.memory_space<vmem>>) target_semaphore(%dma_start3A_419 : memref<!tpu.dma_semaphore, #tpu.memory_space<semaphore_mem>>)
      } else {
      }
      %add3A_253 = arith.constant 2 : i32
      %add3A_254 = arith.addi %add3A_214, %add3A_253 : i32
      %lt3A_255 = arith.constant 100 : i32
      %lt3A_256 = arith.cmpi slt, %add3A_254, %lt3A_255 : i32
      %convert_element_type3A_257 = arith.extui %lt3A_256 : i1 to i32
      %cond3A_258 = arith.constant 0 : i32
      %cond3A_259 = arith.cmpi ne, %convert_element_type3A_257, %cond3A_258 : i32
      scf.if %cond3A_259 {
        %ge3A = arith.constant 4 : i32
        %ge3A_410 = arith.cmpi sge, %add3A_254, %ge3A : i32
        %convert_element_type3A_411 = arith.extui %ge3A_410 : i1 to i32
        %cond3A_412 = arith.constant 0 : i32
        %cond3A_413 = arith.cmpi ne, %convert_element_type3A_411, %cond3A_412 : i32
        scf.if %cond3A_413 {
          %add3A_446 = arith.constant 0 : i32
          %add3A_447 = arith.addi %mul3A_2, %add3A_446 : i32
          %dma_wait3A_448 = arith.constant 2 : i32
          %dma_wait3A_449 = arith.constant 2 : i32
          %dma_wait3A_450 = arith.constant 0 : i32
          %dma_wait3A_451 = arith.constant 0 : i32
          %dma_wait3A_452 = tpu.memref_slice %arg6[%dma_wait3A_448, %dma_wait3A_450, %dma_wait3A_451] : memref<4x256x64xf32, #tpu.memory_space<vmem>> -> memref<1x256x64xf32, #tpu.memory_space<vmem>>
          %dma_wait3A_453 = tpu.memref_squeeze %dma_wait3A_452 : memref<1x256x64xf32, #tpu.memory_space<vmem>> -> memref<256x64xf32, #tpu.memory_space<vmem>>
          %dma_wait3A_454 = arith.constant 0 : i32
          %dma_wait3A_455 = tpu.memref_slice %arg4[%add3A_447, %dma_wait3A_454] : memref<819200x64xf32, #tpu.memory_space<hbm>> -> memref<256x64xf32, #tpu.memory_space<hbm>>
          %dma_wait3A_456 = tpu.memref_slice %arg9[%dma_wait3A_449] : memref<4x!tpu.dma_semaphore, #tpu.memory_space<semaphore_mem>> -> memref<1x!tpu.dma_semaphore, #tpu.memory_space<semaphore_mem>>
          %dma_wait3A_457 = tpu.memref_squeeze %dma_wait3A_456 : memref<1x!tpu.dma_semaphore, #tpu.memory_space<semaphore_mem>> -> memref<!tpu.dma_semaphore, #tpu.memory_space<semaphore_mem>>
          %dma_wait3A_458 = arith.constant 0 : i32
          %dma_wait3A_459 = tpu.memref_slice %arg4[%add3A_447, %dma_wait3A_458] : memref<819200x64xf32, #tpu.memory_space<hbm>> -> memref<256x64xf32, #tpu.memory_space<hbm>>
          %dma_wait3A_460 = arith.constant 0 : i32
          %dma_wait3A_461 = arith.constant 0 : i32
          %dma_wait3A_462 = tpu.memref_slice %arg6[%dma_wait3A_448, %dma_wait3A_460, %dma_wait3A_461] : memref<4x256x64xf32, #tpu.memory_space<vmem>> -> memref<1x256x64xf32, #tpu.memory_space<vmem>>
          %dma_wait3A_463 = tpu.memref_squeeze %dma_wait3A_462 : memref<1x256x64xf32, #tpu.memory_space<vmem>> -> memref<256x64xf32, #tpu.memory_space<vmem>>
          tpu.wait_dma2 semaphore(%dma_wait3A_457 : memref<!tpu.dma_semaphore, #tpu.memory_space<semaphore_mem>>) src(%dma_wait3A_463 : memref<256x64xf32, #tpu.memory_space<vmem>>) dst(%dma_wait3A_459 : memref<256x64xf32, #tpu.memory_space<hbm>>)
        } else {
        }
        %dma_wait3A_414 = arith.constant 0 : i32
        %dma_wait3A_415 = arith.constant 2 : i32
        %dma_wait3A_416 = arith.constant 2 : i32
        %dma_wait3A_417 = arith.constant 0 : i32
        %dma_wait3A_418 = tpu.memref_slice %arg5[%dma_wait3A_415, %dma_wait3A_417] : memref<4x256xi32, #tpu.memory_space<vmem>> -> memref<1x256xi32, #tpu.memory_space<vmem>>
        %dma_wait3A_419 = tpu.memref_squeeze %dma_wait3A_418 : memref<1x256xi32, #tpu.memory_space<vmem>> -> memref<256xi32, #tpu.memory_space<vmem>>
        %dma_wait3A_420 = arith.constant 0 : i32
        %dma_wait3A_421 = tpu.memref_slice %arg2[%add3A, %dma_wait3A_414, %dma_wait3A_420] : memref<32x100x256xi32, #tpu.memory_space<hbm>> -> memref<1x1x256xi32, #tpu.memory_space<hbm>>
        %dma_wait3A_422 = tpu.memref_squeeze %dma_wait3A_421 : memref<1x1x256xi32, #tpu.memory_space<hbm>> -> memref<256xi32, #tpu.memory_space<hbm>>
        %dma_wait3A_423 = tpu.memref_slice %arg7[%dma_wait3A_416] : memref<4x!tpu.dma_semaphore, #tpu.memory_space<semaphore_mem>> -> memref<1x!tpu.dma_semaphore, #tpu.memory_space<semaphore_mem>>
        %dma_wait3A_424 = tpu.memref_squeeze %dma_wait3A_423 : memref<1x!tpu.dma_semaphore, #tpu.memory_space<semaphore_mem>> -> memref<!tpu.dma_semaphore, #tpu.memory_space<semaphore_mem>>
        %dma_wait3A_425 = arith.constant 0 : i32
        %dma_wait3A_426 = tpu.memref_slice %arg5[%dma_wait3A_415, %dma_wait3A_425] : memref<4x256xi32, #tpu.memory_space<vmem>> -> memref<1x256xi32, #tpu.memory_space<vmem>>
        %dma_wait3A_427 = tpu.memref_squeeze %dma_wait3A_426 : memref<1x256xi32, #tpu.memory_space<vmem>> -> memref<256xi32, #tpu.memory_space<vmem>>
        %dma_wait3A_428 = arith.constant 0 : i32
        %dma_wait3A_429 = tpu.memref_slice %arg2[%add3A, %dma_wait3A_414, %dma_wait3A_428] : memref<32x100x256xi32, #tpu.memory_space<hbm>> -> memref<1x1x256xi32, #tpu.memory_space<hbm>>
        %dma_wait3A_430 = tpu.memref_squeeze %dma_wait3A_429 : memref<1x1x256xi32, #tpu.memory_space<hbm>> -> memref<256xi32, #tpu.memory_space<hbm>>
        tpu.wait_dma2 semaphore(%dma_wait3A_424 : memref<!tpu.dma_semaphore, #tpu.memory_space<semaphore_mem>>) src(%dma_wait3A_430 : memref<256xi32, #tpu.memory_space<hbm>>) dst(%dma_wait3A_427 : memref<256xi32, #tpu.memory_space<vmem>>)
        %dma_start3A_431 = arith.constant 2 : i32
        %dma_start3A_432 = arith.constant 2 : i32
        %dma_start3A_433 = arith.constant 2 : i32
        %dma_start3A_434 = arith.constant 0 : i32
        %dma_start3A_435 = arith.constant 0 : i32
        %dma_start3A_436 = tpu.memref_slice %arg6[%dma_start3A_432, %dma_start3A_434, %dma_start3A_435] : memref<4x256x64xf32, #tpu.memory_space<vmem>> -> memref<1x256x64xf32, #tpu.memory_space<vmem>>
        %dma_start3A_437 = tpu.memref_squeeze %dma_start3A_436 : memref<1x256x64xf32, #tpu.memory_space<vmem>> -> memref<256x64xf32, #tpu.memory_space<vmem>>
        %dma_start3A_438 = arith.constant 0 : i32
        %dma_start3A_439 = tpu.memref_slice %arg5[%dma_start3A_431, %dma_start3A_438] : memref<4x256xi32, #tpu.memory_space<vmem>> -> memref<1x256xi32, #tpu.memory_space<vmem>>
        %dma_start3A_440 = tpu.memref_squeeze %dma_start3A_439 : memref<1x256xi32, #tpu.memory_space<vmem>> -> memref<256xi32, #tpu.memory_space<vmem>>
        %dma_start3A_441 = arith.constant 0 : i32
        %dma_start3A_442 = arith.constant 0 : i32
        %dma_start3A_443 = tpu.memref_slice %arg3[%dma_start3A_441, %dma_start3A_442] : memref<100000x64xf32, #tpu.memory_space<hbm>> -> memref<100000x64xf32, #tpu.memory_space<hbm>>
        %dma_start3A_444 = tpu.memref_slice %arg8[%dma_start3A_433] : memref<4x!tpu.dma_semaphore, #tpu.memory_space<semaphore_mem>> -> memref<1x!tpu.dma_semaphore, #tpu.memory_space<semaphore_mem>>
        %dma_start3A_445 = tpu.memref_squeeze %dma_start3A_444 : memref<1x!tpu.dma_semaphore, #tpu.memory_space<semaphore_mem>> -> memref<!tpu.dma_semaphore, #tpu.memory_space<semaphore_mem>>
        tpu.enqueue_indirect_dma source(%dma_start3A_443 : memref<100000x64xf32, #tpu.memory_space<hbm>>) target(%dma_start3A_437 : memref<256x64xf32, #tpu.memory_space<vmem>>) offsets(%dma_start3A_440 : memref<256xi32, #tpu.memory_space<vmem>>) semaphore(%dma_start3A_445 : memref<!tpu.dma_semaphore, #tpu.memory_space<semaphore_mem>>)
      } else {
      }
      %add3A_260 = arith.constant 1 : i32
      %add3A_261 = arith.addi %mul3A_212, %add3A_260 : i32
      %dma_wait3A_262 = arith.constant 1 : i32
      %dma_wait3A_263 = arith.constant 1 : i32
      %dma_wait3A_264 = arith.constant 1 : i32
      %dma_wait3A_265 = arith.constant 0 : i32
      %dma_wait3A_266 = arith.constant 0 : i32
      %dma_wait3A_267 = tpu.memref_slice %arg6[%dma_wait3A_263, %dma_wait3A_265, %dma_wait3A_266] : memref<4x256x64xf32, #tpu.memory_space<vmem>> -> memref<1x256x64xf32, #tpu.memory_space<vmem>>
      %dma_wait3A_268 = tpu.memref_squeeze %dma_wait3A_267 : memref<1x256x64xf32, #tpu.memory_space<vmem>> -> memref<256x64xf32, #tpu.memory_space<vmem>>
      %dma_wait3A_269 = arith.constant 0 : i32
      %dma_wait3A_270 = tpu.memref_slice %arg5[%dma_wait3A_262, %dma_wait3A_269] : memref<4x256xi32, #tpu.memory_space<vmem>> -> memref<1x256xi32, #tpu.memory_space<vmem>>
      %dma_wait3A_271 = tpu.memref_squeeze %dma_wait3A_270 : memref<1x256xi32, #tpu.memory_space<vmem>> -> memref<256xi32, #tpu.memory_space<vmem>>
      %dma_wait3A_272 = arith.constant 0 : i32
      %dma_wait3A_273 = arith.constant 0 : i32
      %dma_wait3A_274 = tpu.memref_slice %arg3[%dma_wait3A_272, %dma_wait3A_273] : memref<100000x64xf32, #tpu.memory_space<hbm>> -> memref<100000x64xf32, #tpu.memory_space<hbm>>
      %dma_wait3A_275 = tpu.memref_slice %arg8[%dma_wait3A_264] : memref<4x!tpu.dma_semaphore, #tpu.memory_space<semaphore_mem>> -> memref<1x!tpu.dma_semaphore, #tpu.memory_space<semaphore_mem>>
      %dma_wait3A_276 = tpu.memref_squeeze %dma_wait3A_275 : memref<1x!tpu.dma_semaphore, #tpu.memory_space<semaphore_mem>> -> memref<!tpu.dma_semaphore, #tpu.memory_space<semaphore_mem>>
      tpu.wait_indirect_dma semaphore(%dma_wait3A_276 : memref<!tpu.dma_semaphore, #tpu.memory_space<semaphore_mem>>) src(%dma_wait3A_274 : memref<100000x64xf32, #tpu.memory_space<hbm>>) dst(%dma_wait3A_268 : memref<256x64xf32, #tpu.memory_space<vmem>>)
      %mul3A_277 = arith.constant 256 : i32
      %mul3A_278 = arith.muli %add3A_261, %mul3A_277 : i32
      %add3A_279 = arith.addi %mul3A_2, %mul3A_278 : i32
      %dma_start3A_280 = arith.constant 1 : i32
      %dma_start3A_281 = arith.constant 1 : i32
      %dma_start3A_282 = arith.constant 0 : i32
      %dma_start3A_283 = arith.constant 0 : i32
      %dma_start3A_284 = tpu.memref_slice %arg6[%dma_start3A_280, %dma_start3A_282, %dma_start3A_283] : memref<4x256x64xf32, #tpu.memory_space<vmem>> -> memref<1x256x64xf32, #tpu.memory_space<vmem>>
      %dma_start3A_285 = tpu.memref_squeeze %dma_start3A_284 : memref<1x256x64xf32, #tpu.memory_space<vmem>> -> memref<256x64xf32, #tpu.memory_space<vmem>>
      %dma_start3A_286 = arith.constant 0 : i32
      %dma_start3A_287 = tpu.memref_slice %arg4[%add3A_279, %dma_start3A_286] : memref<819200x64xf32, #tpu.memory_space<hbm>> -> memref<256x64xf32, #tpu.memory_space<hbm>>
      %dma_start3A_288 = tpu.memref_slice %arg9[%dma_start3A_281] : memref<4x!tpu.dma_semaphore, #tpu.memory_space<semaphore_mem>> -> memref<1x!tpu.dma_semaphore, #tpu.memory_space<semaphore_mem>>
      %dma_start3A_289 = tpu.memref_squeeze %dma_start3A_288 : memref<1x!tpu.dma_semaphore, #tpu.memory_space<semaphore_mem>> -> memref<!tpu.dma_semaphore, #tpu.memory_space<semaphore_mem>>
      %dma_start3A_290 = arith.constant 0 : i32
      %dma_start3A_291 = tpu.memref_slice %arg4[%add3A_279, %dma_start3A_290] : memref<819200x64xf32, #tpu.memory_space<hbm>> -> memref<256x64xf32, #tpu.memory_space<hbm>>
      %dma_start3A_292 = arith.constant 0 : i32
      %dma_start3A_293 = arith.constant 0 : i32
      %dma_start3A_294 = tpu.memref_slice %arg6[%dma_start3A_280, %dma_start3A_292, %dma_start3A_293] : memref<4x256x64xf32, #tpu.memory_space<vmem>> -> memref<1x256x64xf32, #tpu.memory_space<vmem>>
      %dma_start3A_295 = tpu.memref_squeeze %dma_start3A_294 : memref<1x256x64xf32, #tpu.memory_space<vmem>> -> memref<256x64xf32, #tpu.memory_space<vmem>>
      tpu.enqueue_dma source(%dma_start3A_295 : memref<256x64xf32, #tpu.memory_space<vmem>>) target(%dma_start3A_291 : memref<256x64xf32, #tpu.memory_space<hbm>>) target_semaphore(%dma_start3A_289 : memref<!tpu.dma_semaphore, #tpu.memory_space<semaphore_mem>>)
      %add3A_296 = arith.constant 4 : i32
      %add3A_297 = arith.addi %add3A_261, %add3A_296 : i32
      %lt3A_298 = arith.constant 100 : i32
      %lt3A_299 = arith.cmpi slt, %add3A_297, %lt3A_298 : i32
      %convert_element_type3A_300 = arith.extui %lt3A_299 : i1 to i32
      %cond3A_301 = arith.constant 0 : i32
      %cond3A_302 = arith.cmpi ne, %convert_element_type3A_300, %cond3A_301 : i32
      scf.if %cond3A_302 {
        %dma_start3A_410 = arith.constant 1 : i32
        %dma_start3A_411 = arith.constant 1 : i32
        %dma_start3A_412 = arith.constant 0 : i32
        %dma_start3A_413 = tpu.memref_slice %arg5[%dma_start3A_410, %dma_start3A_412] : memref<4x256xi32, #tpu.memory_space<vmem>> -> memref<1x256xi32, #tpu.memory_space<vmem>>
        %dma_start3A_414 = tpu.memref_squeeze %dma_start3A_413 : memref<1x256xi32, #tpu.memory_space<vmem>> -> memref<256xi32, #tpu.memory_space<vmem>>
        %dma_start3A_415 = arith.constant 0 : i32
        %dma_start3A_416 = tpu.memref_slice %arg2[%add3A, %add3A_297, %dma_start3A_415] : memref<32x100x256xi32, #tpu.memory_space<hbm>> -> memref<1x1x256xi32, #tpu.memory_space<hbm>>
        %dma_start3A_417 = tpu.memref_squeeze %dma_start3A_416 : memref<1x1x256xi32, #tpu.memory_space<hbm>> -> memref<256xi32, #tpu.memory_space<hbm>>
        %dma_start3A_418 = tpu.memref_slice %arg7[%dma_start3A_411] : memref<4x!tpu.dma_semaphore, #tpu.memory_space<semaphore_mem>> -> memref<1x!tpu.dma_semaphore, #tpu.memory_space<semaphore_mem>>
        %dma_start3A_419 = tpu.memref_squeeze %dma_start3A_418 : memref<1x!tpu.dma_semaphore, #tpu.memory_space<semaphore_mem>> -> memref<!tpu.dma_semaphore, #tpu.memory_space<semaphore_mem>>
        %dma_start3A_420 = arith.constant 0 : i32
        %dma_start3A_421 = tpu.memref_slice %arg5[%dma_start3A_410, %dma_start3A_420] : memref<4x256xi32, #tpu.memory_space<vmem>> -> memref<1x256xi32, #tpu.memory_space<vmem>>
        %dma_start3A_422 = tpu.memref_squeeze %dma_start3A_421 : memref<1x256xi32, #tpu.memory_space<vmem>> -> memref<256xi32, #tpu.memory_space<vmem>>
        %dma_start3A_423 = arith.constant 0 : i32
        %dma_start3A_424 = tpu.memref_slice %arg2[%add3A, %add3A_297, %dma_start3A_423] : memref<32x100x256xi32, #tpu.memory_space<hbm>> -> memref<1x1x256xi32, #tpu.memory_space<hbm>>
        %dma_start3A_425 = tpu.memref_squeeze %dma_start3A_424 : memref<1x1x256xi32, #tpu.memory_space<hbm>> -> memref<256xi32, #tpu.memory_space<hbm>>
        tpu.enqueue_dma source(%dma_start3A_425 : memref<256xi32, #tpu.memory_space<hbm>>) target(%dma_start3A_422 : memref<256xi32, #tpu.memory_space<vmem>>) target_semaphore(%dma_start3A_419 : memref<!tpu.dma_semaphore, #tpu.memory_space<semaphore_mem>>)
      } else {
      }
      %add3A_303 = arith.constant 2 : i32
      %add3A_304 = arith.addi %add3A_261, %add3A_303 : i32
      %lt3A_305 = arith.constant 100 : i32
      %lt3A_306 = arith.cmpi slt, %add3A_304, %lt3A_305 : i32
      %convert_element_type3A_307 = arith.extui %lt3A_306 : i1 to i32
      %cond3A_308 = arith.constant 0 : i32
      %cond3A_309 = arith.cmpi ne, %convert_element_type3A_307, %cond3A_308 : i32
      scf.if %cond3A_309 {
        %ge3A = arith.constant 4 : i32
        %ge3A_410 = arith.cmpi sge, %add3A_304, %ge3A : i32
        %convert_element_type3A_411 = arith.extui %ge3A_410 : i1 to i32
        %cond3A_412 = arith.constant 0 : i32
        %cond3A_413 = arith.cmpi ne, %convert_element_type3A_411, %cond3A_412 : i32
        scf.if %cond3A_413 {
          %add3A_446 = arith.constant 0 : i32
          %add3A_447 = arith.addi %mul3A_2, %add3A_446 : i32
          %dma_wait3A_448 = arith.constant 3 : i32
          %dma_wait3A_449 = arith.constant 3 : i32
          %dma_wait3A_450 = arith.constant 0 : i32
          %dma_wait3A_451 = arith.constant 0 : i32
          %dma_wait3A_452 = tpu.memref_slice %arg6[%dma_wait3A_448, %dma_wait3A_450, %dma_wait3A_451] : memref<4x256x64xf32, #tpu.memory_space<vmem>> -> memref<1x256x64xf32, #tpu.memory_space<vmem>>
          %dma_wait3A_453 = tpu.memref_squeeze %dma_wait3A_452 : memref<1x256x64xf32, #tpu.memory_space<vmem>> -> memref<256x64xf32, #tpu.memory_space<vmem>>
          %dma_wait3A_454 = arith.constant 0 : i32
          %dma_wait3A_455 = tpu.memref_slice %arg4[%add3A_447, %dma_wait3A_454] : memref<819200x64xf32, #tpu.memory_space<hbm>> -> memref<256x64xf32, #tpu.memory_space<hbm>>
          %dma_wait3A_456 = tpu.memref_slice %arg9[%dma_wait3A_449] : memref<4x!tpu.dma_semaphore, #tpu.memory_space<semaphore_mem>> -> memref<1x!tpu.dma_semaphore, #tpu.memory_space<semaphore_mem>>
          %dma_wait3A_457 = tpu.memref_squeeze %dma_wait3A_456 : memref<1x!tpu.dma_semaphore, #tpu.memory_space<semaphore_mem>> -> memref<!tpu.dma_semaphore, #tpu.memory_space<semaphore_mem>>
          %dma_wait3A_458 = arith.constant 0 : i32
          %dma_wait3A_459 = tpu.memref_slice %arg4[%add3A_447, %dma_wait3A_458] : memref<819200x64xf32, #tpu.memory_space<hbm>> -> memref<256x64xf32, #tpu.memory_space<hbm>>
          %dma_wait3A_460 = arith.constant 0 : i32
          %dma_wait3A_461 = arith.constant 0 : i32
          %dma_wait3A_462 = tpu.memref_slice %arg6[%dma_wait3A_448, %dma_wait3A_460, %dma_wait3A_461] : memref<4x256x64xf32, #tpu.memory_space<vmem>> -> memref<1x256x64xf32, #tpu.memory_space<vmem>>
          %dma_wait3A_463 = tpu.memref_squeeze %dma_wait3A_462 : memref<1x256x64xf32, #tpu.memory_space<vmem>> -> memref<256x64xf32, #tpu.memory_space<vmem>>
          tpu.wait_dma2 semaphore(%dma_wait3A_457 : memref<!tpu.dma_semaphore, #tpu.memory_space<semaphore_mem>>) src(%dma_wait3A_463 : memref<256x64xf32, #tpu.memory_space<vmem>>) dst(%dma_wait3A_459 : memref<256x64xf32, #tpu.memory_space<hbm>>)
        } else {
        }
        %dma_wait3A_414 = arith.constant 0 : i32
        %dma_wait3A_415 = arith.constant 3 : i32
        %dma_wait3A_416 = arith.constant 3 : i32
        %dma_wait3A_417 = arith.constant 0 : i32
        %dma_wait3A_418 = tpu.memref_slice %arg5[%dma_wait3A_415, %dma_wait3A_417] : memref<4x256xi32, #tpu.memory_space<vmem>> -> memref<1x256xi32, #tpu.memory_space<vmem>>
        %dma_wait3A_419 = tpu.memref_squeeze %dma_wait3A_418 : memref<1x256xi32, #tpu.memory_space<vmem>> -> memref<256xi32, #tpu.memory_space<vmem>>
        %dma_wait3A_420 = arith.constant 0 : i32
        %dma_wait3A_421 = tpu.memref_slice %arg2[%add3A, %dma_wait3A_414, %dma_wait3A_420] : memref<32x100x256xi32, #tpu.memory_space<hbm>> -> memref<1x1x256xi32, #tpu.memory_space<hbm>>
        %dma_wait3A_422 = tpu.memref_squeeze %dma_wait3A_421 : memref<1x1x256xi32, #tpu.memory_space<hbm>> -> memref<256xi32, #tpu.memory_space<hbm>>
        %dma_wait3A_423 = tpu.memref_slice %arg7[%dma_wait3A_416] : memref<4x!tpu.dma_semaphore, #tpu.memory_space<semaphore_mem>> -> memref<1x!tpu.dma_semaphore, #tpu.memory_space<semaphore_mem>>
        %dma_wait3A_424 = tpu.memref_squeeze %dma_wait3A_423 : memref<1x!tpu.dma_semaphore, #tpu.memory_space<semaphore_mem>> -> memref<!tpu.dma_semaphore, #tpu.memory_space<semaphore_mem>>
        %dma_wait3A_425 = arith.constant 0 : i32
        %dma_wait3A_426 = tpu.memref_slice %arg5[%dma_wait3A_415, %dma_wait3A_425] : memref<4x256xi32, #tpu.memory_space<vmem>> -> memref<1x256xi32, #tpu.memory_space<vmem>>
        %dma_wait3A_427 = tpu.memref_squeeze %dma_wait3A_426 : memref<1x256xi32, #tpu.memory_space<vmem>> -> memref<256xi32, #tpu.memory_space<vmem>>
        %dma_wait3A_428 = arith.constant 0 : i32
        %dma_wait3A_429 = tpu.memref_slice %arg2[%add3A, %dma_wait3A_414, %dma_wait3A_428] : memref<32x100x256xi32, #tpu.memory_space<hbm>> -> memref<1x1x256xi32, #tpu.memory_space<hbm>>
        %dma_wait3A_430 = tpu.memref_squeeze %dma_wait3A_429 : memref<1x1x256xi32, #tpu.memory_space<hbm>> -> memref<256xi32, #tpu.memory_space<hbm>>
        tpu.wait_dma2 semaphore(%dma_wait3A_424 : memref<!tpu.dma_semaphore, #tpu.memory_space<semaphore_mem>>) src(%dma_wait3A_430 : memref<256xi32, #tpu.memory_space<hbm>>) dst(%dma_wait3A_427 : memref<256xi32, #tpu.memory_space<vmem>>)
        %dma_start3A_431 = arith.constant 3 : i32
        %dma_start3A_432 = arith.constant 3 : i32
        %dma_start3A_433 = arith.constant 3 : i32
        %dma_start3A_434 = arith.constant 0 : i32
        %dma_start3A_435 = arith.constant 0 : i32
        %dma_start3A_436 = tpu.memref_slice %arg6[%dma_start3A_432, %dma_start3A_434, %dma_start3A_435] : memref<4x256x64xf32, #tpu.memory_space<vmem>> -> memref<1x256x64xf32, #tpu.memory_space<vmem>>
        %dma_start3A_437 = tpu.memref_squeeze %dma_start3A_436 : memref<1x256x64xf32, #tpu.memory_space<vmem>> -> memref<256x64xf32, #tpu.memory_space<vmem>>
        %dma_start3A_438 = arith.constant 0 : i32
        %dma_start3A_439 = tpu.memref_slice %arg5[%dma_start3A_431, %dma_start3A_438] : memref<4x256xi32, #tpu.memory_space<vmem>> -> memref<1x256xi32, #tpu.memory_space<vmem>>
        %dma_start3A_440 = tpu.memref_squeeze %dma_start3A_439 : memref<1x256xi32, #tpu.memory_space<vmem>> -> memref<256xi32, #tpu.memory_space<vmem>>
        %dma_start3A_441 = arith.constant 0 : i32
        %dma_start3A_442 = arith.constant 0 : i32
        %dma_start3A_443 = tpu.memref_slice %arg3[%dma_start3A_441, %dma_start3A_442] : memref<100000x64xf32, #tpu.memory_space<hbm>> -> memref<100000x64xf32, #tpu.memory_space<hbm>>
        %dma_start3A_444 = tpu.memref_slice %arg8[%dma_start3A_433] : memref<4x!tpu.dma_semaphore, #tpu.memory_space<semaphore_mem>> -> memref<1x!tpu.dma_semaphore, #tpu.memory_space<semaphore_mem>>
        %dma_start3A_445 = tpu.memref_squeeze %dma_start3A_444 : memref<1x!tpu.dma_semaphore, #tpu.memory_space<semaphore_mem>> -> memref<!tpu.dma_semaphore, #tpu.memory_space<semaphore_mem>>
        tpu.enqueue_indirect_dma source(%dma_start3A_443 : memref<100000x64xf32, #tpu.memory_space<hbm>>) target(%dma_start3A_437 : memref<256x64xf32, #tpu.memory_space<vmem>>) offsets(%dma_start3A_440 : memref<256xi32, #tpu.memory_space<vmem>>) semaphore(%dma_start3A_445 : memref<!tpu.dma_semaphore, #tpu.memory_space<semaphore_mem>>)
      } else {
      }
      %add3A_310 = arith.constant 2 : i32
      %add3A_311 = arith.addi %mul3A_212, %add3A_310 : i32
      %dma_wait3A_312 = arith.constant 2 : i32
      %dma_wait3A_313 = arith.constant 2 : i32
      %dma_wait3A_314 = arith.constant 2 : i32
      %dma_wait3A_315 = arith.constant 0 : i32
      %dma_wait3A_316 = arith.constant 0 : i32
      %dma_wait3A_317 = tpu.memref_slice %arg6[%dma_wait3A_313, %dma_wait3A_315, %dma_wait3A_316] : memref<4x256x64xf32, #tpu.memory_space<vmem>> -> memref<1x256x64xf32, #tpu.memory_space<vmem>>
      %dma_wait3A_318 = tpu.memref_squeeze %dma_wait3A_317 : memref<1x256x64xf32, #tpu.memory_space<vmem>> -> memref<256x64xf32, #tpu.memory_space<vmem>>
      %dma_wait3A_319 = arith.constant 0 : i32
      %dma_wait3A_320 = tpu.memref_slice %arg5[%dma_wait3A_312, %dma_wait3A_319] : memref<4x256xi32, #tpu.memory_space<vmem>> -> memref<1x256xi32, #tpu.memory_space<vmem>>
      %dma_wait3A_321 = tpu.memref_squeeze %dma_wait3A_320 : memref<1x256xi32, #tpu.memory_space<vmem>> -> memref<256xi32, #tpu.memory_space<vmem>>
      %dma_wait3A_322 = arith.constant 0 : i32
      %dma_wait3A_323 = arith.constant 0 : i32
      %dma_wait3A_324 = tpu.memref_slice %arg3[%dma_wait3A_322, %dma_wait3A_323] : memref<100000x64xf32, #tpu.memory_space<hbm>> -> memref<100000x64xf32, #tpu.memory_space<hbm>>
      %dma_wait3A_325 = tpu.memref_slice %arg8[%dma_wait3A_314] : memref<4x!tpu.dma_semaphore, #tpu.memory_space<semaphore_mem>> -> memref<1x!tpu.dma_semaphore, #tpu.memory_space<semaphore_mem>>
      %dma_wait3A_326 = tpu.memref_squeeze %dma_wait3A_325 : memref<1x!tpu.dma_semaphore, #tpu.memory_space<semaphore_mem>> -> memref<!tpu.dma_semaphore, #tpu.memory_space<semaphore_mem>>
      tpu.wait_indirect_dma semaphore(%dma_wait3A_326 : memref<!tpu.dma_semaphore, #tpu.memory_space<semaphore_mem>>) src(%dma_wait3A_324 : memref<100000x64xf32, #tpu.memory_space<hbm>>) dst(%dma_wait3A_318 : memref<256x64xf32, #tpu.memory_space<vmem>>)
      %mul3A_327 = arith.constant 256 : i32
      %mul3A_328 = arith.muli %add3A_311, %mul3A_327 : i32
      %add3A_329 = arith.addi %mul3A_2, %mul3A_328 : i32
      %dma_start3A_330 = arith.constant 2 : i32
      %dma_start3A_331 = arith.constant 2 : i32
      %dma_start3A_332 = arith.constant 0 : i32
      %dma_start3A_333 = arith.constant 0 : i32
      %dma_start3A_334 = tpu.memref_slice %arg6[%dma_start3A_330, %dma_start3A_332, %dma_start3A_333] : memref<4x256x64xf32, #tpu.memory_space<vmem>> -> memref<1x256x64xf32, #tpu.memory_space<vmem>>
      %dma_start3A_335 = tpu.memref_squeeze %dma_start3A_334 : memref<1x256x64xf32, #tpu.memory_space<vmem>> -> memref<256x64xf32, #tpu.memory_space<vmem>>
      %dma_start3A_336 = arith.constant 0 : i32
      %dma_start3A_337 = tpu.memref_slice %arg4[%add3A_329, %dma_start3A_336] : memref<819200x64xf32, #tpu.memory_space<hbm>> -> memref<256x64xf32, #tpu.memory_space<hbm>>
      %dma_start3A_338 = tpu.memref_slice %arg9[%dma_start3A_331] : memref<4x!tpu.dma_semaphore, #tpu.memory_space<semaphore_mem>> -> memref<1x!tpu.dma_semaphore, #tpu.memory_space<semaphore_mem>>
      %dma_start3A_339 = tpu.memref_squeeze %dma_start3A_338 : memref<1x!tpu.dma_semaphore, #tpu.memory_space<semaphore_mem>> -> memref<!tpu.dma_semaphore, #tpu.memory_space<semaphore_mem>>
      %dma_start3A_340 = arith.constant 0 : i32
      %dma_start3A_341 = tpu.memref_slice %arg4[%add3A_329, %dma_start3A_340] : memref<819200x64xf32, #tpu.memory_space<hbm>> -> memref<256x64xf32, #tpu.memory_space<hbm>>
      %dma_start3A_342 = arith.constant 0 : i32
      %dma_start3A_343 = arith.constant 0 : i32
      %dma_start3A_344 = tpu.memref_slice %arg6[%dma_start3A_330, %dma_start3A_342, %dma_start3A_343] : memref<4x256x64xf32, #tpu.memory_space<vmem>> -> memref<1x256x64xf32, #tpu.memory_space<vmem>>
      %dma_start3A_345 = tpu.memref_squeeze %dma_start3A_344 : memref<1x256x64xf32, #tpu.memory_space<vmem>> -> memref<256x64xf32, #tpu.memory_space<vmem>>
      tpu.enqueue_dma source(%dma_start3A_345 : memref<256x64xf32, #tpu.memory_space<vmem>>) target(%dma_start3A_341 : memref<256x64xf32, #tpu.memory_space<hbm>>) target_semaphore(%dma_start3A_339 : memref<!tpu.dma_semaphore, #tpu.memory_space<semaphore_mem>>)
      %add3A_346 = arith.constant 4 : i32
      %add3A_347 = arith.addi %add3A_311, %add3A_346 : i32
      %lt3A_348 = arith.constant 100 : i32
      %lt3A_349 = arith.cmpi slt, %add3A_347, %lt3A_348 : i32
      %convert_element_type3A_350 = arith.extui %lt3A_349 : i1 to i32
      %cond3A_351 = arith.constant 0 : i32
      %cond3A_352 = arith.cmpi ne, %convert_element_type3A_350, %cond3A_351 : i32
      scf.if %cond3A_352 {
        %dma_start3A_410 = arith.constant 2 : i32
        %dma_start3A_411 = arith.constant 2 : i32
        %dma_start3A_412 = arith.constant 0 : i32
        %dma_start3A_413 = tpu.memref_slice %arg5[%dma_start3A_410, %dma_start3A_412] : memref<4x256xi32, #tpu.memory_space<vmem>> -> memref<1x256xi32, #tpu.memory_space<vmem>>
        %dma_start3A_414 = tpu.memref_squeeze %dma_start3A_413 : memref<1x256xi32, #tpu.memory_space<vmem>> -> memref<256xi32, #tpu.memory_space<vmem>>
        %dma_start3A_415 = arith.constant 0 : i32
        %dma_start3A_416 = tpu.memref_slice %arg2[%add3A, %add3A_347, %dma_start3A_415] : memref<32x100x256xi32, #tpu.memory_space<hbm>> -> memref<1x1x256xi32, #tpu.memory_space<hbm>>
        %dma_start3A_417 = tpu.memref_squeeze %dma_start3A_416 : memref<1x1x256xi32, #tpu.memory_space<hbm>> -> memref<256xi32, #tpu.memory_space<hbm>>
        %dma_start3A_418 = tpu.memref_slice %arg7[%dma_start3A_411] : memref<4x!tpu.dma_semaphore, #tpu.memory_space<semaphore_mem>> -> memref<1x!tpu.dma_semaphore, #tpu.memory_space<semaphore_mem>>
        %dma_start3A_419 = tpu.memref_squeeze %dma_start3A_418 : memref<1x!tpu.dma_semaphore, #tpu.memory_space<semaphore_mem>> -> memref<!tpu.dma_semaphore, #tpu.memory_space<semaphore_mem>>
        %dma_start3A_420 = arith.constant 0 : i32
        %dma_start3A_421 = tpu.memref_slice %arg5[%dma_start3A_410, %dma_start3A_420] : memref<4x256xi32, #tpu.memory_space<vmem>> -> memref<1x256xi32, #tpu.memory_space<vmem>>
        %dma_start3A_422 = tpu.memref_squeeze %dma_start3A_421 : memref<1x256xi32, #tpu.memory_space<vmem>> -> memref<256xi32, #tpu.memory_space<vmem>>
        %dma_start3A_423 = arith.constant 0 : i32
        %dma_start3A_424 = tpu.memref_slice %arg2[%add3A, %add3A_347, %dma_start3A_423] : memref<32x100x256xi32, #tpu.memory_space<hbm>> -> memref<1x1x256xi32, #tpu.memory_space<hbm>>
        %dma_start3A_425 = tpu.memref_squeeze %dma_start3A_424 : memref<1x1x256xi32, #tpu.memory_space<hbm>> -> memref<256xi32, #tpu.memory_space<hbm>>
        tpu.enqueue_dma source(%dma_start3A_425 : memref<256xi32, #tpu.memory_space<hbm>>) target(%dma_start3A_422 : memref<256xi32, #tpu.memory_space<vmem>>) target_semaphore(%dma_start3A_419 : memref<!tpu.dma_semaphore, #tpu.memory_space<semaphore_mem>>)
      } else {
      }
      %add3A_353 = arith.constant 2 : i32
      %add3A_354 = arith.addi %add3A_311, %add3A_353 : i32
      %lt3A_355 = arith.constant 100 : i32
      %lt3A_356 = arith.cmpi slt, %add3A_354, %lt3A_355 : i32
      %convert_element_type3A_357 = arith.extui %lt3A_356 : i1 to i32
      %cond3A_358 = arith.constant 0 : i32
      %cond3A_359 = arith.cmpi ne, %convert_element_type3A_357, %cond3A_358 : i32
      scf.if %cond3A_359 {
        %ge3A = arith.constant 4 : i32
        %ge3A_410 = arith.cmpi sge, %add3A_354, %ge3A : i32
        %convert_element_type3A_411 = arith.extui %ge3A_410 : i1 to i32
        %cond3A_412 = arith.constant 0 : i32
        %cond3A_413 = arith.cmpi ne, %convert_element_type3A_411, %cond3A_412 : i32
        scf.if %cond3A_413 {
          %add3A_446 = arith.constant 0 : i32
          %add3A_447 = arith.addi %mul3A_2, %add3A_446 : i32
          %dma_wait3A_448 = arith.constant 0 : i32
          %dma_wait3A_449 = arith.constant 0 : i32
          %dma_wait3A_450 = arith.constant 0 : i32
          %dma_wait3A_451 = arith.constant 0 : i32
          %dma_wait3A_452 = tpu.memref_slice %arg6[%dma_wait3A_448, %dma_wait3A_450, %dma_wait3A_451] : memref<4x256x64xf32, #tpu.memory_space<vmem>> -> memref<1x256x64xf32, #tpu.memory_space<vmem>>
          %dma_wait3A_453 = tpu.memref_squeeze %dma_wait3A_452 : memref<1x256x64xf32, #tpu.memory_space<vmem>> -> memref<256x64xf32, #tpu.memory_space<vmem>>
          %dma_wait3A_454 = arith.constant 0 : i32
          %dma_wait3A_455 = tpu.memref_slice %arg4[%add3A_447, %dma_wait3A_454] : memref<819200x64xf32, #tpu.memory_space<hbm>> -> memref<256x64xf32, #tpu.memory_space<hbm>>
          %dma_wait3A_456 = tpu.memref_slice %arg9[%dma_wait3A_449] : memref<4x!tpu.dma_semaphore, #tpu.memory_space<semaphore_mem>> -> memref<1x!tpu.dma_semaphore, #tpu.memory_space<semaphore_mem>>
          %dma_wait3A_457 = tpu.memref_squeeze %dma_wait3A_456 : memref<1x!tpu.dma_semaphore, #tpu.memory_space<semaphore_mem>> -> memref<!tpu.dma_semaphore, #tpu.memory_space<semaphore_mem>>
          %dma_wait3A_458 = arith.constant 0 : i32
          %dma_wait3A_459 = tpu.memref_slice %arg4[%add3A_447, %dma_wait3A_458] : memref<819200x64xf32, #tpu.memory_space<hbm>> -> memref<256x64xf32, #tpu.memory_space<hbm>>
          %dma_wait3A_460 = arith.constant 0 : i32
          %dma_wait3A_461 = arith.constant 0 : i32
          %dma_wait3A_462 = tpu.memref_slice %arg6[%dma_wait3A_448, %dma_wait3A_460, %dma_wait3A_461] : memref<4x256x64xf32, #tpu.memory_space<vmem>> -> memref<1x256x64xf32, #tpu.memory_space<vmem>>
          %dma_wait3A_463 = tpu.memref_squeeze %dma_wait3A_462 : memref<1x256x64xf32, #tpu.memory_space<vmem>> -> memref<256x64xf32, #tpu.memory_space<vmem>>
          tpu.wait_dma2 semaphore(%dma_wait3A_457 : memref<!tpu.dma_semaphore, #tpu.memory_space<semaphore_mem>>) src(%dma_wait3A_463 : memref<256x64xf32, #tpu.memory_space<vmem>>) dst(%dma_wait3A_459 : memref<256x64xf32, #tpu.memory_space<hbm>>)
        } else {
        }
        %dma_wait3A_414 = arith.constant 0 : i32
        %dma_wait3A_415 = arith.constant 0 : i32
        %dma_wait3A_416 = arith.constant 0 : i32
        %dma_wait3A_417 = arith.constant 0 : i32
        %dma_wait3A_418 = tpu.memref_slice %arg5[%dma_wait3A_415, %dma_wait3A_417] : memref<4x256xi32, #tpu.memory_space<vmem>> -> memref<1x256xi32, #tpu.memory_space<vmem>>
        %dma_wait3A_419 = tpu.memref_squeeze %dma_wait3A_418 : memref<1x256xi32, #tpu.memory_space<vmem>> -> memref<256xi32, #tpu.memory_space<vmem>>
        %dma_wait3A_420 = arith.constant 0 : i32
        %dma_wait3A_421 = tpu.memref_slice %arg2[%add3A, %dma_wait3A_414, %dma_wait3A_420] : memref<32x100x256xi32, #tpu.memory_space<hbm>> -> memref<1x1x256xi32, #tpu.memory_space<hbm>>
        %dma_wait3A_422 = tpu.memref_squeeze %dma_wait3A_421 : memref<1x1x256xi32, #tpu.memory_space<hbm>> -> memref<256xi32, #tpu.memory_space<hbm>>
        %dma_wait3A_423 = tpu.memref_slice %arg7[%dma_wait3A_416] : memref<4x!tpu.dma_semaphore, #tpu.memory_space<semaphore_mem>> -> memref<1x!tpu.dma_semaphore, #tpu.memory_space<semaphore_mem>>
        %dma_wait3A_424 = tpu.memref_squeeze %dma_wait3A_423 : memref<1x!tpu.dma_semaphore, #tpu.memory_space<semaphore_mem>> -> memref<!tpu.dma_semaphore, #tpu.memory_space<semaphore_mem>>
        %dma_wait3A_425 = arith.constant 0 : i32
        %dma_wait3A_426 = tpu.memref_slice %arg5[%dma_wait3A_415, %dma_wait3A_425] : memref<4x256xi32, #tpu.memory_space<vmem>> -> memref<1x256xi32, #tpu.memory_space<vmem>>
        %dma_wait3A_427 = tpu.memref_squeeze %dma_wait3A_426 : memref<1x256xi32, #tpu.memory_space<vmem>> -> memref<256xi32, #tpu.memory_space<vmem>>
        %dma_wait3A_428 = arith.constant 0 : i32
        %dma_wait3A_429 = tpu.memref_slice %arg2[%add3A, %dma_wait3A_414, %dma_wait3A_428] : memref<32x100x256xi32, #tpu.memory_space<hbm>> -> memref<1x1x256xi32, #tpu.memory_space<hbm>>
        %dma_wait3A_430 = tpu.memref_squeeze %dma_wait3A_429 : memref<1x1x256xi32, #tpu.memory_space<hbm>> -> memref<256xi32, #tpu.memory_space<hbm>>
        tpu.wait_dma2 semaphore(%dma_wait3A_424 : memref<!tpu.dma_semaphore, #tpu.memory_space<semaphore_mem>>) src(%dma_wait3A_430 : memref<256xi32, #tpu.memory_space<hbm>>) dst(%dma_wait3A_427 : memref<256xi32, #tpu.memory_space<vmem>>)
        %dma_start3A_431 = arith.constant 0 : i32
        %dma_start3A_432 = arith.constant 0 : i32
        %dma_start3A_433 = arith.constant 0 : i32
        %dma_start3A_434 = arith.constant 0 : i32
        %dma_start3A_435 = arith.constant 0 : i32
        %dma_start3A_436 = tpu.memref_slice %arg6[%dma_start3A_432, %dma_start3A_434, %dma_start3A_435] : memref<4x256x64xf32, #tpu.memory_space<vmem>> -> memref<1x256x64xf32, #tpu.memory_space<vmem>>
        %dma_start3A_437 = tpu.memref_squeeze %dma_start3A_436 : memref<1x256x64xf32, #tpu.memory_space<vmem>> -> memref<256x64xf32, #tpu.memory_space<vmem>>
        %dma_start3A_438 = arith.constant 0 : i32
        %dma_start3A_439 = tpu.memref_slice %arg5[%dma_start3A_431, %dma_start3A_438] : memref<4x256xi32, #tpu.memory_space<vmem>> -> memref<1x256xi32, #tpu.memory_space<vmem>>
        %dma_start3A_440 = tpu.memref_squeeze %dma_start3A_439 : memref<1x256xi32, #tpu.memory_space<vmem>> -> memref<256xi32, #tpu.memory_space<vmem>>
        %dma_start3A_441 = arith.constant 0 : i32
        %dma_start3A_442 = arith.constant 0 : i32
        %dma_start3A_443 = tpu.memref_slice %arg3[%dma_start3A_441, %dma_start3A_442] : memref<100000x64xf32, #tpu.memory_space<hbm>> -> memref<100000x64xf32, #tpu.memory_space<hbm>>
        %dma_start3A_444 = tpu.memref_slice %arg8[%dma_start3A_433] : memref<4x!tpu.dma_semaphore, #tpu.memory_space<semaphore_mem>> -> memref<1x!tpu.dma_semaphore, #tpu.memory_space<semaphore_mem>>
        %dma_start3A_445 = tpu.memref_squeeze %dma_start3A_444 : memref<1x!tpu.dma_semaphore, #tpu.memory_space<semaphore_mem>> -> memref<!tpu.dma_semaphore, #tpu.memory_space<semaphore_mem>>
        tpu.enqueue_indirect_dma source(%dma_start3A_443 : memref<100000x64xf32, #tpu.memory_space<hbm>>) target(%dma_start3A_437 : memref<256x64xf32, #tpu.memory_space<vmem>>) offsets(%dma_start3A_440 : memref<256xi32, #tpu.memory_space<vmem>>) semaphore(%dma_start3A_445 : memref<!tpu.dma_semaphore, #tpu.memory_space<semaphore_mem>>)
      } else {
      }
      %add3A_360 = arith.constant 3 : i32
      %add3A_361 = arith.addi %mul3A_212, %add3A_360 : i32
      %dma_wait3A_362 = arith.constant 3 : i32
      %dma_wait3A_363 = arith.constant 3 : i32
      %dma_wait3A_364 = arith.constant 3 : i32
      %dma_wait3A_365 = arith.constant 0 : i32
      %dma_wait3A_366 = arith.constant 0 : i32
      %dma_wait3A_367 = tpu.memref_slice %arg6[%dma_wait3A_363, %dma_wait3A_365, %dma_wait3A_366] : memref<4x256x64xf32, #tpu.memory_space<vmem>> -> memref<1x256x64xf32, #tpu.memory_space<vmem>>
      %dma_wait3A_368 = tpu.memref_squeeze %dma_wait3A_367 : memref<1x256x64xf32, #tpu.memory_space<vmem>> -> memref<256x64xf32, #tpu.memory_space<vmem>>
      %dma_wait3A_369 = arith.constant 0 : i32
      %dma_wait3A_370 = tpu.memref_slice %arg5[%dma_wait3A_362, %dma_wait3A_369] : memref<4x256xi32, #tpu.memory_space<vmem>> -> memref<1x256xi32, #tpu.memory_space<vmem>>
      %dma_wait3A_371 = tpu.memref_squeeze %dma_wait3A_370 : memref<1x256xi32, #tpu.memory_space<vmem>> -> memref<256xi32, #tpu.memory_space<vmem>>
      %dma_wait3A_372 = arith.constant 0 : i32
      %dma_wait3A_373 = arith.constant 0 : i32
      %dma_wait3A_374 = tpu.memref_slice %arg3[%dma_wait3A_372, %dma_wait3A_373] : memref<100000x64xf32, #tpu.memory_space<hbm>> -> memref<100000x64xf32, #tpu.memory_space<hbm>>
      %dma_wait3A_375 = tpu.memref_slice %arg8[%dma_wait3A_364] : memref<4x!tpu.dma_semaphore, #tpu.memory_space<semaphore_mem>> -> memref<1x!tpu.dma_semaphore, #tpu.memory_space<semaphore_mem>>
      %dma_wait3A_376 = tpu.memref_squeeze %dma_wait3A_375 : memref<1x!tpu.dma_semaphore, #tpu.memory_space<semaphore_mem>> -> memref<!tpu.dma_semaphore, #tpu.memory_space<semaphore_mem>>
      tpu.wait_indirect_dma semaphore(%dma_wait3A_376 : memref<!tpu.dma_semaphore, #tpu.memory_space<semaphore_mem>>) src(%dma_wait3A_374 : memref<100000x64xf32, #tpu.memory_space<hbm>>) dst(%dma_wait3A_368 : memref<256x64xf32, #tpu.memory_space<vmem>>)
      %mul3A_377 = arith.constant 256 : i32
      %mul3A_378 = arith.muli %add3A_361, %mul3A_377 : i32
      %add3A_379 = arith.addi %mul3A_2, %mul3A_378 : i32
      %dma_start3A_380 = arith.constant 3 : i32
      %dma_start3A_381 = arith.constant 3 : i32
      %dma_start3A_382 = arith.constant 0 : i32
      %dma_start3A_383 = arith.constant 0 : i32
      %dma_start3A_384 = tpu.memref_slice %arg6[%dma_start3A_380, %dma_start3A_382, %dma_start3A_383] : memref<4x256x64xf32, #tpu.memory_space<vmem>> -> memref<1x256x64xf32, #tpu.memory_space<vmem>>
      %dma_start3A_385 = tpu.memref_squeeze %dma_start3A_384 : memref<1x256x64xf32, #tpu.memory_space<vmem>> -> memref<256x64xf32, #tpu.memory_space<vmem>>
      %dma_start3A_386 = arith.constant 0 : i32
      %dma_start3A_387 = tpu.memref_slice %arg4[%add3A_379, %dma_start3A_386] : memref<819200x64xf32, #tpu.memory_space<hbm>> -> memref<256x64xf32, #tpu.memory_space<hbm>>
      %dma_start3A_388 = tpu.memref_slice %arg9[%dma_start3A_381] : memref<4x!tpu.dma_semaphore, #tpu.memory_space<semaphore_mem>> -> memref<1x!tpu.dma_semaphore, #tpu.memory_space<semaphore_mem>>
      %dma_start3A_389 = tpu.memref_squeeze %dma_start3A_388 : memref<1x!tpu.dma_semaphore, #tpu.memory_space<semaphore_mem>> -> memref<!tpu.dma_semaphore, #tpu.memory_space<semaphore_mem>>
      %dma_start3A_390 = arith.constant 0 : i32
      %dma_start3A_391 = tpu.memref_slice %arg4[%add3A_379, %dma_start3A_390] : memref<819200x64xf32, #tpu.memory_space<hbm>> -> memref<256x64xf32, #tpu.memory_space<hbm>>
      %dma_start3A_392 = arith.constant 0 : i32
      %dma_start3A_393 = arith.constant 0 : i32
      %dma_start3A_394 = tpu.memref_slice %arg6[%dma_start3A_380, %dma_start3A_392, %dma_start3A_393] : memref<4x256x64xf32, #tpu.memory_space<vmem>> -> memref<1x256x64xf32, #tpu.memory_space<vmem>>
      %dma_start3A_395 = tpu.memref_squeeze %dma_start3A_394 : memref<1x256x64xf32, #tpu.memory_space<vmem>> -> memref<256x64xf32, #tpu.memory_space<vmem>>
      tpu.enqueue_dma source(%dma_start3A_395 : memref<256x64xf32, #tpu.memory_space<vmem>>) target(%dma_start3A_391 : memref<256x64xf32, #tpu.memory_space<hbm>>) target_semaphore(%dma_start3A_389 : memref<!tpu.dma_semaphore, #tpu.memory_space<semaphore_mem>>)
      %add3A_396 = arith.constant 4 : i32
      %add3A_397 = arith.addi %add3A_361, %add3A_396 : i32
      %lt3A_398 = arith.constant 100 : i32
      %lt3A_399 = arith.cmpi slt, %add3A_397, %lt3A_398 : i32
      %convert_element_type3A_400 = arith.extui %lt3A_399 : i1 to i32
      %cond3A_401 = arith.constant 0 : i32
      %cond3A_402 = arith.cmpi ne, %convert_element_type3A_400, %cond3A_401 : i32
      scf.if %cond3A_402 {
        %dma_start3A_410 = arith.constant 3 : i32
        %dma_start3A_411 = arith.constant 3 : i32
        %dma_start3A_412 = arith.constant 0 : i32
        %dma_start3A_413 = tpu.memref_slice %arg5[%dma_start3A_410, %dma_start3A_412] : memref<4x256xi32, #tpu.memory_space<vmem>> -> memref<1x256xi32, #tpu.memory_space<vmem>>
        %dma_start3A_414 = tpu.memref_squeeze %dma_start3A_413 : memref<1x256xi32, #tpu.memory_space<vmem>> -> memref<256xi32, #tpu.memory_space<vmem>>
        %dma_start3A_415 = arith.constant 0 : i32
        %dma_start3A_416 = tpu.memref_slice %arg2[%add3A, %add3A_397, %dma_start3A_415] : memref<32x100x256xi32, #tpu.memory_space<hbm>> -> memref<1x1x256xi32, #tpu.memory_space<hbm>>
        %dma_start3A_417 = tpu.memref_squeeze %dma_start3A_416 : memref<1x1x256xi32, #tpu.memory_space<hbm>> -> memref<256xi32, #tpu.memory_space<hbm>>
        %dma_start3A_418 = tpu.memref_slice %arg7[%dma_start3A_411] : memref<4x!tpu.dma_semaphore, #tpu.memory_space<semaphore_mem>> -> memref<1x!tpu.dma_semaphore, #tpu.memory_space<semaphore_mem>>
        %dma_start3A_419 = tpu.memref_squeeze %dma_start3A_418 : memref<1x!tpu.dma_semaphore, #tpu.memory_space<semaphore_mem>> -> memref<!tpu.dma_semaphore, #tpu.memory_space<semaphore_mem>>
        %dma_start3A_420 = arith.constant 0 : i32
        %dma_start3A_421 = tpu.memref_slice %arg5[%dma_start3A_410, %dma_start3A_420] : memref<4x256xi32, #tpu.memory_space<vmem>> -> memref<1x256xi32, #tpu.memory_space<vmem>>
        %dma_start3A_422 = tpu.memref_squeeze %dma_start3A_421 : memref<1x256xi32, #tpu.memory_space<vmem>> -> memref<256xi32, #tpu.memory_space<vmem>>
        %dma_start3A_423 = arith.constant 0 : i32
        %dma_start3A_424 = tpu.memref_slice %arg2[%add3A, %add3A_397, %dma_start3A_423] : memref<32x100x256xi32, #tpu.memory_space<hbm>> -> memref<1x1x256xi32, #tpu.memory_space<hbm>>
        %dma_start3A_425 = tpu.memref_squeeze %dma_start3A_424 : memref<1x1x256xi32, #tpu.memory_space<hbm>> -> memref<256xi32, #tpu.memory_space<hbm>>
        tpu.enqueue_dma source(%dma_start3A_425 : memref<256xi32, #tpu.memory_space<hbm>>) target(%dma_start3A_422 : memref<256xi32, #tpu.memory_space<vmem>>) target_semaphore(%dma_start3A_419 : memref<!tpu.dma_semaphore, #tpu.memory_space<semaphore_mem>>)
      } else {
      }
      %add3A_403 = arith.constant 2 : i32
      %add3A_404 = arith.addi %add3A_361, %add3A_403 : i32
      %lt3A_405 = arith.constant 100 : i32
      %lt3A_406 = arith.cmpi slt, %add3A_404, %lt3A_405 : i32
      %convert_element_type3A_407 = arith.extui %lt3A_406 : i1 to i32
      %cond3A_408 = arith.constant 0 : i32
      %cond3A_409 = arith.cmpi ne, %convert_element_type3A_407, %cond3A_408 : i32
      scf.if %cond3A_409 {
        %ge3A = arith.constant 4 : i32
        %ge3A_410 = arith.cmpi sge, %add3A_404, %ge3A : i32
        %convert_element_type3A_411 = arith.extui %ge3A_410 : i1 to i32
        %cond3A_412 = arith.constant 0 : i32
        %cond3A_413 = arith.cmpi ne, %convert_element_type3A_411, %cond3A_412 : i32
        scf.if %cond3A_413 {
          %add3A_446 = arith.constant 0 : i32
          %add3A_447 = arith.addi %mul3A_2, %add3A_446 : i32
          %dma_wait3A_448 = arith.constant 1 : i32
          %dma_wait3A_449 = arith.constant 1 : i32
          %dma_wait3A_450 = arith.constant 0 : i32
          %dma_wait3A_451 = arith.constant 0 : i32
          %dma_wait3A_452 = tpu.memref_slice %arg6[%dma_wait3A_448, %dma_wait3A_450, %dma_wait3A_451] : memref<4x256x64xf32, #tpu.memory_space<vmem>> -> memref<1x256x64xf32, #tpu.memory_space<vmem>>
          %dma_wait3A_453 = tpu.memref_squeeze %dma_wait3A_452 : memref<1x256x64xf32, #tpu.memory_space<vmem>> -> memref<256x64xf32, #tpu.memory_space<vmem>>
          %dma_wait3A_454 = arith.constant 0 : i32
          %dma_wait3A_455 = tpu.memref_slice %arg4[%add3A_447, %dma_wait3A_454] : memref<819200x64xf32, #tpu.memory_space<hbm>> -> memref<256x64xf32, #tpu.memory_space<hbm>>
          %dma_wait3A_456 = tpu.memref_slice %arg9[%dma_wait3A_449] : memref<4x!tpu.dma_semaphore, #tpu.memory_space<semaphore_mem>> -> memref<1x!tpu.dma_semaphore, #tpu.memory_space<semaphore_mem>>
          %dma_wait3A_457 = tpu.memref_squeeze %dma_wait3A_456 : memref<1x!tpu.dma_semaphore, #tpu.memory_space<semaphore_mem>> -> memref<!tpu.dma_semaphore, #tpu.memory_space<semaphore_mem>>
          %dma_wait3A_458 = arith.constant 0 : i32
          %dma_wait3A_459 = tpu.memref_slice %arg4[%add3A_447, %dma_wait3A_458] : memref<819200x64xf32, #tpu.memory_space<hbm>> -> memref<256x64xf32, #tpu.memory_space<hbm>>
          %dma_wait3A_460 = arith.constant 0 : i32
          %dma_wait3A_461 = arith.constant 0 : i32
          %dma_wait3A_462 = tpu.memref_slice %arg6[%dma_wait3A_448, %dma_wait3A_460, %dma_wait3A_461] : memref<4x256x64xf32, #tpu.memory_space<vmem>> -> memref<1x256x64xf32, #tpu.memory_space<vmem>>
          %dma_wait3A_463 = tpu.memref_squeeze %dma_wait3A_462 : memref<1x256x64xf32, #tpu.memory_space<vmem>> -> memref<256x64xf32, #tpu.memory_space<vmem>>
          tpu.wait_dma2 semaphore(%dma_wait3A_457 : memref<!tpu.dma_semaphore, #tpu.memory_space<semaphore_mem>>) src(%dma_wait3A_463 : memref<256x64xf32, #tpu.memory_space<vmem>>) dst(%dma_wait3A_459 : memref<256x64xf32, #tpu.memory_space<hbm>>)
        } else {
        }
        %dma_wait3A_414 = arith.constant 0 : i32
        %dma_wait3A_415 = arith.constant 1 : i32
        %dma_wait3A_416 = arith.constant 1 : i32
        %dma_wait3A_417 = arith.constant 0 : i32
        %dma_wait3A_418 = tpu.memref_slice %arg5[%dma_wait3A_415, %dma_wait3A_417] : memref<4x256xi32, #tpu.memory_space<vmem>> -> memref<1x256xi32, #tpu.memory_space<vmem>>
        %dma_wait3A_419 = tpu.memref_squeeze %dma_wait3A_418 : memref<1x256xi32, #tpu.memory_space<vmem>> -> memref<256xi32, #tpu.memory_space<vmem>>
        %dma_wait3A_420 = arith.constant 0 : i32
        %dma_wait3A_421 = tpu.memref_slice %arg2[%add3A, %dma_wait3A_414, %dma_wait3A_420] : memref<32x100x256xi32, #tpu.memory_space<hbm>> -> memref<1x1x256xi32, #tpu.memory_space<hbm>>
        %dma_wait3A_422 = tpu.memref_squeeze %dma_wait3A_421 : memref<1x1x256xi32, #tpu.memory_space<hbm>> -> memref<256xi32, #tpu.memory_space<hbm>>
        %dma_wait3A_423 = tpu.memref_slice %arg7[%dma_wait3A_416] : memref<4x!tpu.dma_semaphore, #tpu.memory_space<semaphore_mem>> -> memref<1x!tpu.dma_semaphore, #tpu.memory_space<semaphore_mem>>
        %dma_wait3A_424 = tpu.memref_squeeze %dma_wait3A_423 : memref<1x!tpu.dma_semaphore, #tpu.memory_space<semaphore_mem>> -> memref<!tpu.dma_semaphore, #tpu.memory_space<semaphore_mem>>
        %dma_wait3A_425 = arith.constant 0 : i32
        %dma_wait3A_426 = tpu.memref_slice %arg5[%dma_wait3A_415, %dma_wait3A_425] : memref<4x256xi32, #tpu.memory_space<vmem>> -> memref<1x256xi32, #tpu.memory_space<vmem>>
        %dma_wait3A_427 = tpu.memref_squeeze %dma_wait3A_426 : memref<1x256xi32, #tpu.memory_space<vmem>> -> memref<256xi32, #tpu.memory_space<vmem>>
        %dma_wait3A_428 = arith.constant 0 : i32
        %dma_wait3A_429 = tpu.memref_slice %arg2[%add3A, %dma_wait3A_414, %dma_wait3A_428] : memref<32x100x256xi32, #tpu.memory_space<hbm>> -> memref<1x1x256xi32, #tpu.memory_space<hbm>>
        %dma_wait3A_430 = tpu.memref_squeeze %dma_wait3A_429 : memref<1x1x256xi32, #tpu.memory_space<hbm>> -> memref<256xi32, #tpu.memory_space<hbm>>
        tpu.wait_dma2 semaphore(%dma_wait3A_424 : memref<!tpu.dma_semaphore, #tpu.memory_space<semaphore_mem>>) src(%dma_wait3A_430 : memref<256xi32, #tpu.memory_space<hbm>>) dst(%dma_wait3A_427 : memref<256xi32, #tpu.memory_space<vmem>>)
        %dma_start3A_431 = arith.constant 1 : i32
        %dma_start3A_432 = arith.constant 1 : i32
        %dma_start3A_433 = arith.constant 1 : i32
        %dma_start3A_434 = arith.constant 0 : i32
        %dma_start3A_435 = arith.constant 0 : i32
        %dma_start3A_436 = tpu.memref_slice %arg6[%dma_start3A_432, %dma_start3A_434, %dma_start3A_435] : memref<4x256x64xf32, #tpu.memory_space<vmem>> -> memref<1x256x64xf32, #tpu.memory_space<vmem>>
        %dma_start3A_437 = tpu.memref_squeeze %dma_start3A_436 : memref<1x256x64xf32, #tpu.memory_space<vmem>> -> memref<256x64xf32, #tpu.memory_space<vmem>>
        %dma_start3A_438 = arith.constant 0 : i32
        %dma_start3A_439 = tpu.memref_slice %arg5[%dma_start3A_431, %dma_start3A_438] : memref<4x256xi32, #tpu.memory_space<vmem>> -> memref<1x256xi32, #tpu.memory_space<vmem>>
        %dma_start3A_440 = tpu.memref_squeeze %dma_start3A_439 : memref<1x256xi32, #tpu.memory_space<vmem>> -> memref<256xi32, #tpu.memory_space<vmem>>
        %dma_start3A_441 = arith.constant 0 : i32
        %dma_start3A_442 = arith.constant 0 : i32
        %dma_start3A_443 = tpu.memref_slice %arg3[%dma_start3A_441, %dma_start3A_442] : memref<100000x64xf32, #tpu.memory_space<hbm>> -> memref<100000x64xf32, #tpu.memory_space<hbm>>
        %dma_start3A_444 = tpu.memref_slice %arg8[%dma_start3A_433] : memref<4x!tpu.dma_semaphore, #tpu.memory_space<semaphore_mem>> -> memref<1x!tpu.dma_semaphore, #tpu.memory_space<semaphore_mem>>
        %dma_start3A_445 = tpu.memref_squeeze %dma_start3A_444 : memref<1x!tpu.dma_semaphore, #tpu.memory_space<semaphore_mem>> -> memref<!tpu.dma_semaphore, #tpu.memory_space<semaphore_mem>>
        tpu.enqueue_indirect_dma source(%dma_start3A_443 : memref<100000x64xf32, #tpu.memory_space<hbm>>) target(%dma_start3A_437 : memref<256x64xf32, #tpu.memory_space<vmem>>) offsets(%dma_start3A_440 : memref<256xi32, #tpu.memory_space<vmem>>) semaphore(%dma_start3A_445 : memref<!tpu.dma_semaphore, #tpu.memory_space<semaphore_mem>>)
      } else {
      }
    }
    %scan3A_137 = arith.constant 25 : i32
    %add3A_138 = arith.constant 0 : i32
    %add3A_139 = arith.addi %mul3A_2, %add3A_138 : i32
    %dma_wait3A_140 = arith.constant 0 : i32
    %dma_wait3A_141 = arith.constant 0 : i32
    %dma_wait3A_142 = arith.constant 0 : i32
    %dma_wait3A_143 = arith.constant 0 : i32
    %dma_wait3A_144 = tpu.memref_slice %arg6[%dma_wait3A_140, %dma_wait3A_142, %dma_wait3A_143] : memref<4x256x64xf32, #tpu.memory_space<vmem>> -> memref<1x256x64xf32, #tpu.memory_space<vmem>>
    %dma_wait3A_145 = tpu.memref_squeeze %dma_wait3A_144 : memref<1x256x64xf32, #tpu.memory_space<vmem>> -> memref<256x64xf32, #tpu.memory_space<vmem>>
    %dma_wait3A_146 = arith.constant 0 : i32
    %dma_wait3A_147 = tpu.memref_slice %arg4[%add3A_139, %dma_wait3A_146] : memref<819200x64xf32, #tpu.memory_space<hbm>> -> memref<256x64xf32, #tpu.memory_space<hbm>>
    %dma_wait3A_148 = tpu.memref_slice %arg9[%dma_wait3A_141] : memref<4x!tpu.dma_semaphore, #tpu.memory_space<semaphore_mem>> -> memref<1x!tpu.dma_semaphore, #tpu.memory_space<semaphore_mem>>
    %dma_wait3A_149 = tpu.memref_squeeze %dma_wait3A_148 : memref<1x!tpu.dma_semaphore, #tpu.memory_space<semaphore_mem>> -> memref<!tpu.dma_semaphore, #tpu.memory_space<semaphore_mem>>
    %dma_wait3A_150 = arith.constant 0 : i32
    %dma_wait3A_151 = tpu.memref_slice %arg4[%add3A_139, %dma_wait3A_150] : memref<819200x64xf32, #tpu.memory_space<hbm>> -> memref<256x64xf32, #tpu.memory_space<hbm>>
    %dma_wait3A_152 = arith.constant 0 : i32
    %dma_wait3A_153 = arith.constant 0 : i32
    %dma_wait3A_154 = tpu.memref_slice %arg6[%dma_wait3A_140, %dma_wait3A_152, %dma_wait3A_153] : memref<4x256x64xf32, #tpu.memory_space<vmem>> -> memref<1x256x64xf32, #tpu.memory_space<vmem>>
    %dma_wait3A_155 = tpu.memref_squeeze %dma_wait3A_154 : memref<1x256x64xf32, #tpu.memory_space<vmem>> -> memref<256x64xf32, #tpu.memory_space<vmem>>
    tpu.wait_dma2 semaphore(%dma_wait3A_149 : memref<!tpu.dma_semaphore, #tpu.memory_space<semaphore_mem>>) src(%dma_wait3A_155 : memref<256x64xf32, #tpu.memory_space<vmem>>) dst(%dma_wait3A_151 : memref<256x64xf32, #tpu.memory_space<hbm>>)
    %add3A_156 = arith.constant 0 : i32
    %add3A_157 = arith.addi %mul3A_2, %add3A_156 : i32
    %dma_wait3A_158 = arith.constant 1 : i32
    %dma_wait3A_159 = arith.constant 1 : i32
    %dma_wait3A_160 = arith.constant 0 : i32
    %dma_wait3A_161 = arith.constant 0 : i32
    %dma_wait3A_162 = tpu.memref_slice %arg6[%dma_wait3A_158, %dma_wait3A_160, %dma_wait3A_161] : memref<4x256x64xf32, #tpu.memory_space<vmem>> -> memref<1x256x64xf32, #tpu.memory_space<vmem>>
    %dma_wait3A_163 = tpu.memref_squeeze %dma_wait3A_162 : memref<1x256x64xf32, #tpu.memory_space<vmem>> -> memref<256x64xf32, #tpu.memory_space<vmem>>
    %dma_wait3A_164 = arith.constant 0 : i32
    %dma_wait3A_165 = tpu.memref_slice %arg4[%add3A_157, %dma_wait3A_164] : memref<819200x64xf32, #tpu.memory_space<hbm>> -> memref<256x64xf32, #tpu.memory_space<hbm>>
    %dma_wait3A_166 = tpu.memref_slice %arg9[%dma_wait3A_159] : memref<4x!tpu.dma_semaphore, #tpu.memory_space<semaphore_mem>> -> memref<1x!tpu.dma_semaphore, #tpu.memory_space<semaphore_mem>>
    %dma_wait3A_167 = tpu.memref_squeeze %dma_wait3A_166 : memref<1x!tpu.dma_semaphore, #tpu.memory_space<semaphore_mem>> -> memref<!tpu.dma_semaphore, #tpu.memory_space<semaphore_mem>>
    %dma_wait3A_168 = arith.constant 0 : i32
    %dma_wait3A_169 = tpu.memref_slice %arg4[%add3A_157, %dma_wait3A_168] : memref<819200x64xf32, #tpu.memory_space<hbm>> -> memref<256x64xf32, #tpu.memory_space<hbm>>
    %dma_wait3A_170 = arith.constant 0 : i32
    %dma_wait3A_171 = arith.constant 0 : i32
    %dma_wait3A_172 = tpu.memref_slice %arg6[%dma_wait3A_158, %dma_wait3A_170, %dma_wait3A_171] : memref<4x256x64xf32, #tpu.memory_space<vmem>> -> memref<1x256x64xf32, #tpu.memory_space<vmem>>
    %dma_wait3A_173 = tpu.memref_squeeze %dma_wait3A_172 : memref<1x256x64xf32, #tpu.memory_space<vmem>> -> memref<256x64xf32, #tpu.memory_space<vmem>>
    tpu.wait_dma2 semaphore(%dma_wait3A_167 : memref<!tpu.dma_semaphore, #tpu.memory_space<semaphore_mem>>) src(%dma_wait3A_173 : memref<256x64xf32, #tpu.memory_space<vmem>>) dst(%dma_wait3A_169 : memref<256x64xf32, #tpu.memory_space<hbm>>)
    %add3A_174 = arith.constant 0 : i32
    %add3A_175 = arith.addi %mul3A_2, %add3A_174 : i32
    %dma_wait3A_176 = arith.constant 2 : i32
    %dma_wait3A_177 = arith.constant 2 : i32
    %dma_wait3A_178 = arith.constant 0 : i32
    %dma_wait3A_179 = arith.constant 0 : i32
    %dma_wait3A_180 = tpu.memref_slice %arg6[%dma_wait3A_176, %dma_wait3A_178, %dma_wait3A_179] : memref<4x256x64xf32, #tpu.memory_space<vmem>> -> memref<1x256x64xf32, #tpu.memory_space<vmem>>
    %dma_wait3A_181 = tpu.memref_squeeze %dma_wait3A_180 : memref<1x256x64xf32, #tpu.memory_space<vmem>> -> memref<256x64xf32, #tpu.memory_space<vmem>>
    %dma_wait3A_182 = arith.constant 0 : i32
    %dma_wait3A_183 = tpu.memref_slice %arg4[%add3A_175, %dma_wait3A_182] : memref<819200x64xf32, #tpu.memory_space<hbm>> -> memref<256x64xf32, #tpu.memory_space<hbm>>
    %dma_wait3A_184 = tpu.memref_slice %arg9[%dma_wait3A_177] : memref<4x!tpu.dma_semaphore, #tpu.memory_space<semaphore_mem>> -> memref<1x!tpu.dma_semaphore, #tpu.memory_space<semaphore_mem>>
    %dma_wait3A_185 = tpu.memref_squeeze %dma_wait3A_184 : memref<1x!tpu.dma_semaphore, #tpu.memory_space<semaphore_mem>> -> memref<!tpu.dma_semaphore, #tpu.memory_space<semaphore_mem>>
    %dma_wait3A_186 = arith.constant 0 : i32
    %dma_wait3A_187 = tpu.memref_slice %arg4[%add3A_175, %dma_wait3A_186] : memref<819200x64xf32, #tpu.memory_space<hbm>> -> memref<256x64xf32, #tpu.memory_space<hbm>>
    %dma_wait3A_188 = arith.constant 0 : i32
    %dma_wait3A_189 = arith.constant 0 : i32
    %dma_wait3A_190 = tpu.memref_slice %arg6[%dma_wait3A_176, %dma_wait3A_188, %dma_wait3A_189] : memref<4x256x64xf32, #tpu.memory_space<vmem>> -> memref<1x256x64xf32, #tpu.memory_space<vmem>>
    %dma_wait3A_191 = tpu.memref_squeeze %dma_wait3A_190 : memref<1x256x64xf32, #tpu.memory_space<vmem>> -> memref<256x64xf32, #tpu.memory_space<vmem>>
    tpu.wait_dma2 semaphore(%dma_wait3A_185 : memref<!tpu.dma_semaphore, #tpu.memory_space<semaphore_mem>>) src(%dma_wait3A_191 : memref<256x64xf32, #tpu.memory_space<vmem>>) dst(%dma_wait3A_187 : memref<256x64xf32, #tpu.memory_space<hbm>>)
    %add3A_192 = arith.constant 0 : i32
    %add3A_193 = arith.addi %mul3A_2, %add3A_192 : i32
    %dma_wait3A_194 = arith.constant 3 : i32
    %dma_wait3A_195 = arith.constant 3 : i32
    %dma_wait3A_196 = arith.constant 0 : i32
    %dma_wait3A_197 = arith.constant 0 : i32
    %dma_wait3A_198 = tpu.memref_slice %arg6[%dma_wait3A_194, %dma_wait3A_196, %dma_wait3A_197] : memref<4x256x64xf32, #tpu.memory_space<vmem>> -> memref<1x256x64xf32, #tpu.memory_space<vmem>>
    %dma_wait3A_199 = tpu.memref_squeeze %dma_wait3A_198 : memref<1x256x64xf32, #tpu.memory_space<vmem>> -> memref<256x64xf32, #tpu.memory_space<vmem>>
    %dma_wait3A_200 = arith.constant 0 : i32
    %dma_wait3A_201 = tpu.memref_slice %arg4[%add3A_193, %dma_wait3A_200] : memref<819200x64xf32, #tpu.memory_space<hbm>> -> memref<256x64xf32, #tpu.memory_space<hbm>>
    %dma_wait3A_202 = tpu.memref_slice %arg9[%dma_wait3A_195] : memref<4x!tpu.dma_semaphore, #tpu.memory_space<semaphore_mem>> -> memref<1x!tpu.dma_semaphore, #tpu.memory_space<semaphore_mem>>
    %dma_wait3A_203 = tpu.memref_squeeze %dma_wait3A_202 : memref<1x!tpu.dma_semaphore, #tpu.memory_space<semaphore_mem>> -> memref<!tpu.dma_semaphore, #tpu.memory_space<semaphore_mem>>
    %dma_wait3A_204 = arith.constant 0 : i32
    %dma_wait3A_205 = tpu.memref_slice %arg4[%add3A_193, %dma_wait3A_204] : memref<819200x64xf32, #tpu.memory_space<hbm>> -> memref<256x64xf32, #tpu.memory_space<hbm>>
    %dma_wait3A_206 = arith.constant 0 : i32
    %dma_wait3A_207 = arith.constant 0 : i32
    %dma_wait3A_208 = tpu.memref_slice %arg6[%dma_wait3A_194, %dma_wait3A_206, %dma_wait3A_207] : memref<4x256x64xf32, #tpu.memory_space<vmem>> -> memref<1x256x64xf32, #tpu.memory_space<vmem>>
    %dma_wait3A_209 = tpu.memref_squeeze %dma_wait3A_208 : memref<1x256x64xf32, #tpu.memory_space<vmem>> -> memref<256x64xf32, #tpu.memory_space<vmem>>
    tpu.wait_dma2 semaphore(%dma_wait3A_203 : memref<!tpu.dma_semaphore, #tpu.memory_space<semaphore_mem>>) src(%dma_wait3A_209 : memref<256x64xf32, #tpu.memory_space<vmem>>) dst(%dma_wait3A_205 : memref<256x64xf32, #tpu.memory_space<hbm>>)
    return
  }
}

</mosaic_0001>

<sc_bundles>
// kernel: kernel.3.cloned.1.call-start
scs
__scs_entry_jumppad:
0x0: {  	(pc) =	sbr.rel $0x88, $3  }
0x1: {  	(tag) =	ssettag $0x0;
	lr =	simm.s32 $0x1  }
0x2: {  	[smem:$0x3F9F] =	sst lr;
	_ =	strace $0xD0000000  }
0x3: {  	_ = 	snop  }
0x4: {  	_ = 	snop  }
0x5: {  	_ = 	snop  }
0x6: {  	_ = 	snop  }
0x7: {  	_ = 	snop  }
__scs_overlays_trampoline_lowered:
0x8: {  	[smem:$0x3FAE] =	sst s0  }
0x9: {  	[smem:$0x3FAF] =	sst s1  }
0xa: {  	[smem:$0x3FB0] =	sst s2  }
0xb: {  	[smem:$0x3FB1] =	sst s3  }
0xc: {  	[smem:$0x3FB2] =	sst s4  }
0xd: {  	[smem:$0x3FB3] =	sst s5  }
0xe: {  	[smem:$0x3FB4] =	sst s6  }
0xf: {  	[smem:$0x3FB5] =	sst s7  }
0x10: {  	[smem:$0x3FB6] =	sst s8  }
0x11: {  	[smem:$0x3FB7] =	sst s9;
	s0 =	simm.s32 @!p0 $0x0  }
0x12: {  	s1 =	sld [smem:$0x3F9D];
	s0 =	simm.s32 @p0 $0x1  }
0x13: {  	[smem:$0x3FB8] =	sst s0;
	s0 =	simm.s32 @!p1 $0x0  }
0x14: {  	s2 =	sld [smem:$0x3F9C];
	s0 =	simm.s32 @p1 $0x1  }
0x15: {  	[smem:$0x3FB9] =	sst s0;
	s0 =	simm.s32 @!p2 $0x0  }
0x16: {  	s3 =	sld [smem:$0x3FDB];
	s0 =	simm.s32 @p2 $0x1  }
0x17: {  	s4 =	simm.s32 $0x1BF5;
	[smem:$0x3FBB] =	sst s0  }
0x18: {  	s0 =	sld [smem:$0x3F9E];
	_ =	swait.ge [sflag:s4], $0x0  }
0x19: {  	s7 =	sld [smem:$0x3F9F]  }
0x1a: {  	s8 =	sadd.s32 $0xFFFFE003, lr  }
0x1b: {  	s9 =	sadd.s32 $0xFFFFFEF7, lr;
	s5 =	simm.s32 $0xFFFFFFFF;
	p2 =	slt.u32 s8, $0xFFFFF086  }
0x1c: {  	p1 =	slt.u32 s9, $0xF7A;
	s5 =	simm.s32 @!p2 $0x0  }
0x1d: {  	s5 =	simm.s32 @p1 $0x1;
	p0 =	seq.s32 s7, s2  }
0x1e: {  	s7 =	smul.u32 @!p0 $0xF7A, s2;
	p2 =	seq.s32 @!p0 s5, $0x0  }
0x1f: {  	s9 =	smul.u32 $0xF7A, s1;
	s8 =	simm.s32 @!p0 $0x1BF5;
	p2 =	por !p2, p0  }
0x20: {  	[sflag:s8] =	ssyncset.s32 @!p0 $0xFFFFF086;
	s6 =	sadd.s32 @!p0 s3, s7;
	s7 =	simm.s32 @!p0 $0x108  }
0x21: {  	s3 =	sadd.s32 s3, s9;
	s6 =	sadd.s32 @!p0 $0x88, s6;
	s7 =	simm.s32 @p2 $0x1082  }
0x22: {  	[simem:s7], [sflag:s8] =	dma.local @!p0 [hbm:s6], $0xF7A  }
0x23: {  	s9 =	sor.u32 $0xD0000000, s2;
	s6 =	simm.s32 $0x108;
	_ =	swait.ge @!p0 [sflag:s8], $0x0  }
0x24: {  	s3 =	sadd.s32 $0x88, s3;
	s6 =	simm.s32 @!p1 $0x1082;
	[sflag:s4] =	ssyncset.s32 $0xFFFFF086  }
0x25: {  	[simem:s6], [sflag:s4] =	dma.local [hbm:s3], $0xF7A  }
0x26: {  	[smem:$0x3F9F] =	sst s1;
	(tag) =	ssettag s2;
	_ =	strace s9  }
0x27: {  	s1 =	sld [smem:$0x3FAF]  }
0x28: {  	s2 =	sld [smem:$0x3FB0]  }
0x29: {  	s4 =	sld [smem:$0x3FB2]  }
0x2a: {  	p0 =	seq.s32 s5, $0x0;
	s5 =	sld [smem:$0x3FB3]  }
0x2b: {  	s6 =	sld [smem:$0x3FB4]  }
0x2c: {  	s7 =	sld [smem:$0x3FB5]  }
0x2d: {  	s3 =	simm.s32 $0x108;
	s8 =	sld [smem:$0x3FB6]  }
0x2e: {  	s3 =	simm.s32 @!p0 $0x1082;
	s9 =	sld [smem:$0x3FB7]  }
0x2f: {  	lr =	sadd.s32 s0, s3;
	s0 =	sld [smem:$0x3FAE]  }
0x30: {  	s3 =	sld [smem:$0x3FB1]  }
0x31: {  	[smem:$0x3FBA] =	sst s10  }
0x32: {  	s10 =	sld [smem:$0x3FB8];
	_ =	sdelay $0x3  }
0x33: {  	p0 =	seq.s32 s10, $0x1;
	s10 =	sld [smem:$0x3FBA];
	_ =	sdelay $0x3  }
0x34: {  	[smem:$0x3FBA] =	sst s10  }
0x35: {  	s10 =	sld [smem:$0x3FB9];
	_ =	sdelay $0x3  }
0x36: {  	p1 =	seq.s32 s10, $0x1;
	s10 =	sld [smem:$0x3FBA];
	_ =	sdelay $0x3  }
0x37: {  	[smem:$0x3FBA] =	sst s10  }
0x38: {  	s10 =	sld [smem:$0x3FBB]  }
0x39: {  	_ = 	snop;
	(pc) =	sbr.ind lr, $3  }
0x3a: {  	_ = 	snop  }
0x3b: {  	_ = 	snop  }
0x3c: {  	p2 =	seq.s32 s10, $0x1;
	s10 =	sld [smem:$0x3FBA]  }
0x3d: {  	_ =	shalt  }
0x3e: {  	_ =	shalt  }
0x3f: {  	_ =	shalt  }
0x40: {  	_ =	shalt  }
0x41: {  	_ =	shalt  }
0x42: {  	_ =	shalt  }
0x43: {  	_ =	shalt  }
0x44: {  	_ =	shalt  }
0x45: {  	_ =	shalt  }
0x46: {  	_ =	shalt  }
0x47: {  	_ =	shalt  }
0x48: {  	_ =	shalt  }
0x49: {  	_ =	shalt  }
0x4a: {  	_ =	shalt  }
0x4b: {  	_ =	shalt  }
0x4c: {  	_ =	shalt  }
0x4d: {  	_ =	shalt  }
0x4e: {  	_ =	shalt  }
0x4f: {  	_ =	shalt  }
0x50: {  	_ =	shalt  }
0x51: {  	_ =	shalt  }
0x52: {  	_ =	shalt  }
0x53: {  	_ =	shalt  }
0x54: {  	_ =	shalt  }
0x55: {  	_ =	shalt  }
0x56: {  	_ =	shalt  }
0x57: {  	_ =	shalt  }
0x58: {  	_ =	shalt  }
0x59: {  	_ =	shalt  }
0x5a: {  	_ =	shalt  }
0x5b: {  	_ =	shalt  }
0x5c: {  	_ =	shalt  }
0x5d: {  	_ =	shalt  }
0x5e: {  	_ =	shalt  }
0x5f: {  	_ =	shalt  }
0x60: {  	_ =	shalt  }
0x61: {  	_ =	shalt  }
0x62: {  	_ =	shalt  }
0x63: {  	_ =	shalt  }
0x64: {  	_ =	shalt  }
0x65: {  	_ =	shalt  }
0x66: {  	_ =	shalt  }
0x67: {  	_ =	shalt  }
0x68: {  	_ =	shalt  }
0x69: {  	_ =	shalt  }
0x6a: {  	_ =	shalt  }
0x6b: {  	_ =	shalt  }
0x6c: {  	_ =	shalt  }
0x6d: {  	_ =	shalt  }
0x6e: {  	_ =	shalt  }
0x6f: {  	_ =	shalt  }
0x70: {  	_ =	shalt  }
0x71: {  	_ =	shalt  }
0x72: {  	_ =	shalt  }
0x73: {  	_ =	shalt  }
0x74: {  	_ =	shalt  }
0x75: {  	_ =	shalt  }
0x76: {  	_ =	shalt  }
0x77: {  	_ =	shalt  }
0x78: {  	_ =	shalt  }
0x79: {  	_ =	shalt  }
0x7a: {  	_ =	shalt  }
0x7b: {  	_ =	shalt  }
0x7c: {  	_ =	shalt  }
0x7d: {  	_ =	shalt  }
0x7e: {  	_ =	shalt  }
0x7f: {  	_ =	shalt  }
0x80: {  	_ =	shalt  }
0x81: {  	_ =	shalt  }
0x82: {  	_ =	shalt  }
0x83: {  	_ =	shalt  }
0x84: {  	_ =	shalt  }
0x85: {  	_ =	shalt  }
0x86: {  	_ =	shalt  }
0x87: {  	_ =	shalt  }
.Lfunc_end0:
.L_simem_size_0:
called_computation.1_lowered:
.L_overlay_start_0:
0x88: {  	s2 =	sld [smem:$0x3FD9]  }
0x89: {  	s3 =	sld [smem:$0x3FFE];
	_ =	sdelay $0x1  }
0x8a: {  	s1 =	srdreg.scid  }
0x8b: {  	s0 =	sand.u32 $0x1, s1  }
0x8c: {  	s17 =	sshll.u32 s0, $0xA;
	s2 =	sadd.s32 s3, s2  }
0x8d: {  	s2 =	sadd.s32 s2, s17  }
0x8e: {  	[smem:$0x3FC6] =	sst s2  }
0x8f: {  	_ = 	snop  }
0x90: {  	s2 =	sld [smem:$0x3FD0];
	(tm) =	ssettm $0x1  }
0x91: {  	s18 =	sld [smem:$0x3FFB];
	_ =	sdelay $0x3  }
0x92: {  	_ =	strace s18  }
0x93: {  	s3 =	sld [smem:$0x3FFC];
	_ =	sdelay $0x3  }
0x94: {  	_ =	strace s3  }
0x95: {  	s3 =	sld [smem:$0x3FFD];
	_ =	sdelay $0x3  }
0x96: {  	_ =	strace s3  }
0x97: {  	_ =	strace $0x8FFFFFFF  }
0x98: {  	s19 =	sld [smem:$0x3FDB];
	_ =	sdelay $0x1  }
0x99: {  	s4 =	simm.s32 $_scs_section_size  }
0x9a: {  	s5 =	simm.s32 $_size__tile_overlayer_lowered;
	s6 =	simm.s32 $_tile_overlayer_lowered  }
0x9b: {  	s22 =	simm.s32 $0x1BFF;
	s21 =	sshll.u32 s6, $0x1;
	s3 =	sadd.s32 s4, s19  }
0x9c: {  	s7 =	simm.s32 $0x0;
	s20 =	sshll.u32 s5, $0x1;
	s5 =	sadd.s32 s21, s3  }
0x9d: {  	[timem:s7], [sflag:s22] =	dma.local [hbm:s5], s20  }
0x9e: {  	_ =	swait.ge [sflag:s22], s20  }
0x9f: {  	s4 =	ssub.s32 $0x0, s20;
	[sflag:s22] =	ssyncset.done $0x0  }
0xa0: {  	[sflag:s22] =	ssyncadd.s32 s4;
	_ =	sdelay $0x1  }
0xa1: {  	s23 =	simm.s32 $0x1B8B  }
0xa2: {  	_ =	swait.ge [sflag:s23], $0x1  }
0xa3: {  	[sflag:s23] =	ssyncset.done $0x0  }
0xa4: {  	s25 =	simm.s32 $0x1B8E;
	s24 =	sld [smem:$0x3FFE];
	[sflag:s23] =	ssyncadd.s32 $0xFFFFFFFF  }
0xa5: {  	s26 =	simm.s32 $execute0_lowered;
	[smem:$0x3FD2] =	sst s25  }
0xa6: {  	s5 =	sshll.u32 s26, $0x1;
	_ =	strace $0x80000046;
	[dreg:$0x1] =	wrdreg $0xFFFFFFFF  }
0xa7: {  	s28 =	simm.s32 $_size_execute0_lowered;
	s3 =	sadd.s32 s3, s5;
	[dreg:$0x0] =	wrdreg $0x0  }
0xa8: {  	s5 =	sshll.u32 s28, $0x1;
	[dreg:$0x2] =	wrdreg s3  }
0xa9: {  	[dreg:$0x3] =	wrdreg s5  }
0xaa: {  	[dreg:$0x4] =	wrdreg $0xC0  }
0xab: {  	_ =	task [dreg:s7], $0x5FFFF  }
0xac: {  	[dreg:$0x1] =	wrdreg $0xFFFFFFFF  }
0xad: {  	[dreg:$0x0] =	wrdreg $0x60  }
0xae: {  	[dreg:$0x2] =	wrdreg s24  }
0xaf: {  	[dreg:$0x3] =	wrdreg s2  }
0xb0: {  	[dreg:$0x4] =	wrdreg $0x9  }
0xb1: {  	_ =	task.clear_ibuf [dreg:s7], $0x5FFFF;
	_ =	strace $0x90000046  }
0xb2: {  	s29 =	simm.s32 $0x9;
	_ =	strace $0x80000048  }
0xb3: {  	_ =	swait.ge [sflag:s29], $0x1  }
0xb4: {  	[sflag:s29] =	ssyncadd.s32 $0xFFFFFFFF  }
0xb5: {  	_ =	strace $0x90000048  }
0xb6: {  	_ =	sfence  }
0xb7: {  	s30 =	sld [smem:$0x0];
	_ =	sdelay $0x2  }
0xb8: {  	s31 =	sshll.u32 s1, $0xD;
	s1 =	sshrl.u32 s1, $0x2  }
0xb9: {  	s3 =	sand.u32 $0x4000, s31;
	s1 =	sadd.s32 s1, s30  }
0xba: {  	s0 =	sor.u32 s3, s0;
	s1 =	sshll.u32 s1, $0x11  }
0xbb: {  	s0 =	sor.u32 s1, s0  }
0xbc: {  	s0 =	sadd.s32 $0x8F2B, s0  }
0xbd: {  	[sflag:s0] =	ssyncadd.remote.s32 $0x1  }
0xbe: {  	_ =	sfence.sel $0xFFFF  }
0xbf: {  	[dreg:$0x0] =	wrdreg $0xFFFFFFFF;
	(pc) =	sbr.abs _section_cstart, $3  }
0xc0: {  	[dreg:$0x1] =	wrdreg $0xFFFFFFFF  }
0xc1: {  	_ =	task.clear_ibuf [dreg:s7], $0x2FFFF;
	_ =	strace $0x9FFFFFFF  }
0xc2: {  	(tm) =	ssettm $0x7FFFFFFF  }
0xc3: {  	_ =	shalt  }
tec
execute0_lowered:
.L_overlay_start_1:
0x0: {  	(tag) =	ssettag $0x1  }
0x1: {  	s0 =	rddreg [dreg:$0x0];
	s1 =	srdreg.scid  }
0x2: {  	s9 =	stileid.u32;
	s5 =	rddreg [dreg:$0x1]  }
0x3: {  	s2 =	simm.s32 $0x0;
	s28 =	simm.s32 $0x3;
	s29 =	simm.s32 $0x8400  }
0x4: {  	s30 =	simm.s32 $0x6;
	s31 =	simm.s32 $0x4;
	s13 =	smul.u32 $0x320000, s9  }
0x5: {  	s1 =	sand.u32 $0x1, s1;
	s3 =	sshll.u32 s9, $0x1;
	s9 =	smul.u32 $0xC800, s9  }
0x6: {  	[smem:$0x7FF] =	sst s2;
	s26 =	sadd.s32 $0x800, s0;
	s15 =	smul.u32 $0x190000, s1  }
0x7: {  	s6 =	sor.u32 s1, s3;
	s12 =	ssub.s32 $0x2, s1;
	s1 =	smul.u32 $0x6400, s1  }
0x8: {  	s4 =	sadd.s32 $0x19800, s0;
	s7 =	smul.u32 $0x6400, s6;
	s8 =	sshrl.u32 s12, $0x1  }
0x9: {  	_ =	strace $0x80000047;
	s6 =	smul.u32 $0x190000, s6;
	s0 =	ssub.s32 s12, s8  }
0xa: {  	s1 =	sadd.s32 s1, s9;
	s8 =	simm.s32 $0xA;
	s9 =	simm.s32 $0xB  }
0xb: {  	s7 =	sshrl.u32 s7, $0x3;
	s6 =	sshrl.u32 s6, $0x3;
	s0 =	smax.u32 s0, $0x1  }
0xc: {  	s20 =	sadd.s32 $0x700, s1;
	s22 =	sadd.s32 $0x600, s1;
	s23 =	sadd.s32 $0x500, s1  }
0xd: {  	s24 =	sshll.u32 s1, $0x3;
	s10 =	sadd.s32 s26, s7;
	s7 =	sadd.s32 s15, s13  }
0xe: {  	[dreg:$0x7] =	wrdreg s0;
	s16 =	sadd.s32 s5, s6;
	s6 =	sshrl.u32 s20, $0x3  }
0xf: {  	s20 =	simm.s32 $0x200;
	s14 =	sadd.s32 $0x20, s10;
	s11 =	sadd.s32 $0x40, s10  }
0x10: {  	[dreg:$0x3] =	wrdreg s10;
	s10 =	sadd.s32 $0x60, s10;
	s17 =	sor.u32 $0xC000, s7  }
0x11: {  	s0 =	sadd.s32 $0x31800, s16;
	s19 =	sor.u32 $0x8000, s7;
	[dreg:$0x4] =	wrdreg s14  }
0x12: {  	s7 =	sshrl.u32 s7, $0x3;
	s21 =	sadd.s32 s6, s26;
	[dreg:$0x5] =	wrdreg s11  }
0x13: {  	s6 =	sshrl.u32 s23, $0x3;
	s23 =	simm.s32 $0x400;
	[dreg:$0x6] =	wrdreg s10  }
0x14: {  	[dreg:$0x8] =	wrdreg s0;
	s18 =	sshrl.u32 s17, $0x3;
	s13 =	sadd.s32 s7, s5  }
0x15: {  	[dreg:$0xa] =	wrdreg s21;
	s11 =	smov.u32 s26;
	s25 =	sadd.s32 s6, s26  }
0x16: {  	s21 =	simm.s32 $0x300;
	s6 =	simm.s32 $0x8;
	s7 =	simm.s32 $0x9  }
0x17: {  	s10 =	simm.s32 $0x0;
	s0 =	sadd.s32 s18, s5;
	[dreg:$0xc] =	wrdreg s25  }
0x18: {  	s25 =	simm.s32 $0x4400;
	[dreg:$0x9] =	wrdreg s0;
	s0 =	sshrl.u32 s19, $0x3  }
.Ltmp0:
0x19: {  	s19 =	simm.s32 $0x100;
	s12 =	sadd.s32 s0, s5;
	(pc) =	sbr.rel .LBB2_1-.Ltmp0, $4  }
0x1a: {  	s0 =	sshrl.u32 s22, $0x3;
	s5 =	sadd.s32 s24, s5;
	s22 =	simm.s32 $0x1  }
0x1b: {  	s24 =	simm.s32 $0x2;
	s0 =	sadd.s32 s0, s26;
	s17 =	sadd.s32 $0x800, s5  }
0x1c: {  	s26 =	sadd.s32 $0x400, s1;
	s1 =	simm.s32 $0xC400;
	[dreg:$0xb] =	wrdreg s0  }
0x1d: {  	[dreg:$0xd] =	wrdreg s26;
	s26 =	simm.s32 $0x5;
	s0 =	simm.s32 $0x7  }
.LBB2_7:
0x1e: {  	_ =	swait.ge [sflag:s6], $0x4000  }
0x1f: {  	[sflag:s6] =	ssyncset.done $0x0  }
0x20: {  	s3 =	rddreg [dreg:$0x8];
	[sflag:s6] =	ssyncadd.s32 $0xFFFFC000  }
0x21: {  	[hbm4b:s3+s2] =	stream.linear.scatter [tilespmem:s1], [sflag:$0xC], $0x4000, $0x38;
	[tilespmem:$0x10400] =	vst v63  }
0x22: {  	_ =	swait.ge [sflag:s7], $0x4000  }
0x23: {  	[sflag:s7] =	ssyncset.done $0x0  }
0x24: {  	[sflag:s7] =	ssyncadd.s32 $0xFFFFC000  }
0x25: {  	_ =	swait.ge [sflag:s8], $0x4000  }
0x26: {  	[sflag:s8] =	ssyncset.done $0x0  }
0x27: {  	[sflag:s8] =	ssyncadd.s32 $0xFFFFC000  }
0x28: {  	_ =	swait.ge [sflag:s9], $0x4000  }
0x29: {  	[sflag:s9] =	ssyncset.done $0x0  }
0x2a: {  	s5 =	simm.s32 $0xC;
	[sflag:s9] =	ssyncadd.s32 $0xFFFFC000  }
0x2b: {  	_ =	swait.ge [sflag:s5], $0x4000  }
0x2c: {  	s10 =	rddreg [dreg:$0xe]  }
0x2d: {  	s18 =	rddreg [dreg:$0x7];
	s10 =	sadd.s32 $0x1, s10  }
0x2e: {  	p0 =	sne.s32 s10, s18  }
.Ltmp1:
0x2f: {  	_ = 	snop;
	(pc) =	sbr.rel @!p0 .LBB2_8-.Ltmp1, $3  }
0x30: {  	_ =	sdelay $0x1  }
0x31: {  	[sflag:s5] =	ssyncset.done $0x0  }
0x32: {  	[sflag:s5] =	ssyncadd.s32 $0xFFFFC000  }
.LBB2_1:
0x33: {  	[dreg:$0xe] =	wrdreg s10  }
0x34: {  	s3 =	rddreg [dreg:$0x3]  }
0x35: {  	[tilespmem:s2], [sflag:$0x1] =	stream.linear.gather [hbm4b:s3+s2], $0x100, $0x38;
	[tilespmem:$0x10400] =	vst v63  }
0x36: {  	s15 =	rddreg [dreg:$0x4]  }
0x37: {  	[tilespmem:s19], [sflag:$0x2] =	stream.linear.gather [hbm4b:s15+s2], $0x100, $0x38;
	[tilespmem:$0x10400] =	vst v63  }
0x38: {  	s16 =	rddreg [dreg:$0x5]  }
0x39: {  	[tilespmem:s20], [sflag:$0x3] =	stream.linear.gather [hbm4b:s16+s2], $0x100, $0x38;
	[tilespmem:$0x10400] =	vst v63  }
0x3a: {  	s18 =	rddreg [dreg:$0x6]  }
0x3b: {  	[tilespmem:s21], [sflag:$0x4] =	stream.linear.gather [hbm4b:s18+s2], $0x100, $0x38;
	[tilespmem:$0x10400] =	vst v63  }
0x3c: {  	_ =	swait.ge [sflag:s22], $0x100  }
0x3d: {  	[sflag:s22] =	ssyncset.done $0x0  }
0x3e: {  	[sflag:s22] =	ssyncadd.s32 $0xFFFFFF00  }
0x3f: {  	[tilespmem:s23], [sflag:$0x5] =	stream.indirect.gather [hbm4b:s4+s19], $0x40, s2, s19, $0xb8;
	[tilespmem:$0x10400] =	vst v63  }
0x40: {  	_ =	swait.ge [sflag:s24], $0x100  }
0x41: {  	s18 =	rddreg [dreg:$0xd]  }
0x42: {  	s16 =	rddreg [dreg:$0xc]  }
0x43: {  	[sflag:s24] =	ssyncset.done $0x0;
	s15 =	rddreg [dreg:$0xb]  }
0x44: {  	s10 =	simm.s32 $0x0;
	s14 =	rddreg [dreg:$0xa];
	[sflag:s24] =	ssyncadd.s32 $0xFFFFFF00  }
0x45: {  	[tilespmem:s25], [sflag:$0x6] =	stream.indirect.gather [hbm4b:s4+s19], $0x40, s19, s19, $0xb8;
	[tilespmem:$0x10400] =	vst v63  }
.LBB2_2:
0x46: {  	p0 =	seq.s32 s10, $0x30000  }
0x47: {  	_ =	swait.ge [sflag:s26], $0x4000;
	p1 =	seq.s32 @!p0 s10, $0x0  }
0x48: {  	[sflag:s26] =	ssyncset.done $0x0;
	p1 =	por p0, !p1  }
.Ltmp2:
0x49: {  	s5 =	sadd.s32 s10, s13;
	[sflag:s26] =	ssyncadd.s32 $0xFFFFC000;
	(pc) =	sbr.rel @!p1 .LBB2_3-.Ltmp2, $4  }
0x4a: {  	[hbm4b:s5+s2] =	stream.linear.scatter [tilespmem:s23], [sflag:$0x9], $0x4000, $0x38;
	[tilespmem:$0x10400] =	vst v63  }
0x4b: {  	s5 =	sshrl.u32 @!p0 s18, $0x3  }
0x4c: {  	s3 =	sadd.s32 @!p0 s11, s5;
	s5 =	simm.s32 @!p0 $0x0  }
0x4d: {  	[tilespmem:s5], [sflag:$0x1] =	stream.linear.gather @!p0 [hbm4b:s3+s5], $0x100, $0x38;
	[tilespmem:$0x10400] =	vst v63  }
.Ltmp3:
0x4e: {  	(pc) =	sbr.rel .LBB2_5-.Ltmp3, $4  }
0x4f: {  	_ = 	snop  }
0x50: {  	_ =	swait.ge [sflag:s9], $0x4000  }
0x51: {  	[sflag:s9] =	ssyncset.done $0x0  }
0x52: {  	p1 =	por $0x0, $0x0;
	[sflag:s9] =	ssyncadd.s32 $0xFFFFC000  }
.LBB2_3:
0x53: {  	p1 =	por @!p0 $0x1, $0x1  }
.LBB2_5:
0x54: {  	_ =	swait.ge [sflag:s28], $0x100  }
0x55: {  	[sflag:s28] =	ssyncset.done $0x0  }
0x56: {  	[sflag:s28] =	ssyncadd.s32 $0xFFFFFF00  }
0x57: {  	[tilespmem:s29], [sflag:$0x7] =	stream.indirect.gather [hbm4b:s4+s19], $0x40, s20, s19, $0xb8;
	[tilespmem:$0x10400] =	vst v63  }
0x58: {  	_ =	swait.ge [sflag:s30], $0x4000  }
0x59: {  	[sflag:s30] =	ssyncset.done $0x0  }
0x5a: {  	s3 =	sadd.s32 s10, s17;
	[sflag:s30] =	ssyncadd.s32 $0xFFFFC000  }
0x5b: {  	[hbm4b:s3+s2] =	stream.linear.scatter [tilespmem:s25], [sflag:$0xA], $0x4000, $0x38;
	[tilespmem:$0x10400] =	vst v63  }
0x5c: {  	s3 =	simm.s32 @!p0 $0x100  }
0x5d: {  	[tilespmem:s3], [sflag:$0x2] =	stream.linear.gather @!p0 [hbm4b:s16+s5], $0x100, $0x38;
	[tilespmem:$0x10400] =	vst v63  }
0x5e: {  	s3 =	simm.s32 @!p1 $0xC  }
0x5f: {  	_ =	swait.ge @!p1 [sflag:s3], $0x4000  }
0x60: {  	[sflag:s3] =	ssyncset.done @!p1 $0x0  }
0x61: {  	[sflag:s3] =	ssyncadd.s32 @!p1 $0xFFFFC000  }
0x62: {  	_ =	swait.ge [sflag:s31], $0x100  }
0x63: {  	[sflag:s31] =	ssyncset.done $0x0  }
0x64: {  	[sflag:s31] =	ssyncadd.s32 $0xFFFFFF00  }
0x65: {  	[tilespmem:s1], [sflag:$0x8] =	stream.indirect.gather [hbm4b:s4+s19], $0x40, s21, s19, $0xb8;
	[tilespmem:$0x10400] =	vst v63  }
.Ltmp4:
0x66: {  	_ = 	snop;
	(pc) =	sbr.rel @p0 .LBB2_7-.Ltmp4, $4  }
0x67: {  	_ =	swait.ge [sflag:s0], $0x4000  }
0x68: {  	[sflag:s0] =	ssyncset.done $0x0  }
0x69: {  	s5 =	sadd.s32 s10, s12;
	[sflag:s0] =	ssyncadd.s32 $0xFFFFC000  }
0x6a: {  	[hbm4b:s5+s2] =	stream.linear.scatter [tilespmem:s29], [sflag:$0xB], $0x4000, $0x38;
	[tilespmem:$0x10400] =	vst v63  }
0x6b: {  	[tilespmem:s20], [sflag:$0x3] =	stream.linear.gather [hbm4b:s15+s2], $0x100, $0x38;
	[tilespmem:$0x10400] =	vst v63  }
0x6c: {  	_ =	swait.ge [sflag:s7], $0x4000  }
0x6d: {  	[sflag:s7] =	ssyncset.done $0x0  }
0x6e: {  	[sflag:s7] =	ssyncadd.s32 $0xFFFFC000  }
0x6f: {  	_ =	swait.ge [sflag:s22], $0x100  }
0x70: {  	[sflag:s22] =	ssyncset.done $0x0  }
0x71: {  	[sflag:s22] =	ssyncadd.s32 $0xFFFFFF00  }
0x72: {  	[tilespmem:s23], [sflag:$0x5] =	stream.indirect.gather [hbm4b:s4+s19], $0x40, s2, s19, $0xb8;
	[tilespmem:$0x10400] =	vst v63  }
0x73: {  	_ =	swait.ge [sflag:s6], $0x4000  }
0x74: {  	[sflag:s6] =	ssyncset.done $0x0;
	s3 =	rddreg [dreg:$0x9]  }
0x75: {  	[sflag:s6] =	ssyncadd.s32 $0xFFFFC000;
	s3 =	sadd.s32 s10, s3  }
0x76: {  	[hbm4b:s3+s2] =	stream.linear.scatter [tilespmem:s1], [sflag:$0xC], $0x4000, $0x38;
	[tilespmem:$0x10400] =	vst v63  }
0x77: {  	_ = 	snop  }
0x78: {  	[tilespmem:s21], [sflag:$0x4] =	stream.linear.gather [hbm4b:s14+s2], $0x100, $0x38;
	[tilespmem:$0x10400] =	vst v63  }
0x79: {  	_ =	swait.ge [sflag:s8], $0x4000  }
0x7a: {  	[sflag:s8] =	ssyncset.done $0x0  }
.Ltmp5:
0x7b: {  	[sflag:s8] =	ssyncadd.s32 $0xFFFFC000;
	(pc) =	sbr.rel .LBB2_2-.Ltmp5, $4  }
0x7c: {  	s15 =	sadd.s32 $0x80, s15;
	_ =	swait.ge [sflag:s24], $0x100  }
0x7d: {  	s16 =	sadd.s32 $0x80, s16;
	s18 =	sadd.s32 $0x400, s18;
	[sflag:s24] =	ssyncset.done $0x0  }
0x7e: {  	s10 =	sadd.s32 $0x2000, s10;
	s14 =	sadd.s32 $0x80, s14;
	[sflag:s24] =	ssyncadd.s32 $0xFFFFFF00  }
0x7f: {  	[tilespmem:s25], [sflag:$0x6] =	stream.indirect.gather [hbm4b:s4+s19], $0x40, s19, s19, $0xb8;
	[tilespmem:$0x10400] =	vst v63  }
.LBB2_8:
0x80: {  	_ =	sfence.sel $0x180000  }
0x81: {  	[bflag:$0x0] =	sbarrier.arrive $0xFFFF  }
0x82: {  	_ =	strace $0x90000047  }
0x83: {  	s0 =	stileid.u32;
	[bflag:$0x2] =	sbarrier.arrive $0xFFFF  }
0x84: {  	p0 =	sne.s32 s0, $0x0;
	s0 =	rddreg [dreg:$0x2]  }
0x85: {  	s0 =	sadd.s32 @!p0 $0x100000, s0  }
0x86: {  	[sflag:s0] =	ssyncadd.tile.s32 @!p0 $0x1;
	_ =	shalt  }
.Lfunc_end2:
_tile_overlayer_lowered:
.L_overlay_start_2:
0x87: {  	(tag) =	ssettag $0x2  }
0x88: {  	s0 =	rddreg [dreg:$0x0];
	s2 =	stileid.u32  }
0x89: {  	s1 =	rddreg [dreg:$0x1];
	p0 =	sne.s32 s2, $0x0  }
0x8a: {  	s3 =	rddreg [dreg:$0x2];
	[bflag:$0x3] =	sbarrier.arrive $0xFFFF;
	s2 =	simm.s32 @!p0 $0x1C0D  }
0x8b: {  	[timem:s3], [sflag:s2] =	dma.local @!p0 [hbm:s0], s1  }
0x8c: {  	s0 =	simm.s32 @!p0 $0xD  }
0x8d: {  	_ =	swait.ge @!p0 [sflag:s0], s1  }
0x8e: {  	s1 =	ssub.s32 @!p0 $0x0, s1;
	[sflag:s0] =	ssyncset.done @!p0 $0x0  }
0x8f: {  	[sflag:s0] =	ssyncadd.s32 @!p0 s1  }
0x90: {  	[bflag:$0x3] =	sbarrier.arrive $0xFFFF  }
0x91: {  	_ =	shalt  }

// kernel: sparse-core-data-format-call.cloned.1.call-start
scs
called_computation_lowered:
.L_overlay_start_0:
0x0: {  	s2 =	sld [smem:$0x3FD9]  }
0x1: {  	s3 =	sld [smem:$0x3FFE];
	_ =	sdelay $0x1  }
0x2: {  	s1 =	srdreg.scid  }
0x3: {  	s0 =	sand.u32 $0x1, s1  }
0x4: {  	s18 =	sshll.u32 s0, $0xA;
	s2 =	sadd.s32 s3, s2  }
0x5: {  	s2 =	sadd.s32 s2, s18  }
0x6: {  	[smem:$0x3FC6] =	sst s2  }
0x7: {  	_ = 	snop  }
0x8: {  	s2 =	sld [smem:$0x3FD0];
	(tm) =	ssettm $0x1  }
0x9: {  	s19 =	sld [smem:$0x3FFB];
	_ =	sdelay $0x3  }
0xa: {  	_ =	strace s19  }
0xb: {  	s3 =	sld [smem:$0x3FFC];
	_ =	sdelay $0x3  }
0xc: {  	_ =	strace s3  }
0xd: {  	s3 =	sld [smem:$0x3FFD];
	_ =	sdelay $0x3  }
0xe: {  	_ =	strace s3  }
0xf: {  	_ =	strace $0x8FFFFFFF  }
0x10: {  	s20 =	sld [smem:$0x3FDB];
	_ =	sdelay $0x1  }
0x11: {  	s4 =	simm.s32 $_scs_section_size  }
0x12: {  	s5 =	simm.s32 $_size__tile_overlayer_lowered;
	s6 =	simm.s32 $_tile_overlayer_lowered  }
0x13: {  	s23 =	simm.s32 $0x1BFF;
	s22 =	sshll.u32 s6, $0x1;
	s3 =	sadd.s32 s4, s20  }
0x14: {  	s7 =	simm.s32 $0x0;
	s21 =	sshll.u32 s5, $0x1;
	s5 =	sadd.s32 s22, s3  }
0x15: {  	[timem:s7], [sflag:s23] =	dma.local [hbm:s5], s21  }
0x16: {  	_ =	swait.ge [sflag:s23], s21  }
0x17: {  	s4 =	ssub.s32 $0x0, s21;
	[sflag:s23] =	ssyncset.done $0x0  }
0x18: {  	[sflag:s23] =	ssyncadd.s32 s4;
	_ =	sdelay $0x1  }
0x19: {  	s24 =	simm.s32 $0x1B8B  }
0x1a: {  	_ =	swait.ge [sflag:s24], $0x1  }
0x1b: {  	[sflag:s24] =	ssyncset.done $0x0  }
0x1c: {  	s26 =	simm.s32 $0x1B8E;
	s25 =	sld [smem:$0x3FFE];
	[sflag:s24] =	ssyncadd.s32 $0xFFFFFFFF  }
0x1d: {  	s27 =	simm.s32 $execute0_lowered;
	[smem:$0x3FD2] =	sst s26  }
0x1e: {  	s5 =	sshll.u32 s27, $0x1;
	_ =	strace $0x80000049;
	[dreg:$0x1] =	wrdreg $0xFFFFFFFF  }
0x1f: {  	s28 =	simm.s32 $_size_execute0_lowered;
	s3 =	sadd.s32 s3, s5;
	[dreg:$0x0] =	wrdreg $0x0  }
0x20: {  	s5 =	sshll.u32 s28, $0x1;
	[dreg:$0x2] =	wrdreg s3  }
0x21: {  	[dreg:$0x3] =	wrdreg s5  }
0x22: {  	[dreg:$0x4] =	wrdreg $0xC0  }
0x23: {  	_ =	task [dreg:s7], $0x5FFFF  }
0x24: {  	[dreg:$0x1] =	wrdreg $0xFFFFFFFF  }
0x25: {  	[dreg:$0x0] =	wrdreg $0x60  }
0x26: {  	[dreg:$0x2] =	wrdreg s25  }
0x27: {  	[dreg:$0x3] =	wrdreg s2  }
0x28: {  	[dreg:$0x4] =	wrdreg $0x9  }
0x29: {  	_ =	task.clear_ibuf [dreg:s7], $0x5FFFF;
	_ =	strace $0x90000049  }
0x2a: {  	s29 =	simm.s32 $0x9;
	_ =	strace $0x8000004B  }
0x2b: {  	_ =	swait.ge [sflag:s29], $0x1  }
0x2c: {  	[sflag:s29] =	ssyncadd.s32 $0xFFFFFFFF  }
0x2d: {  	_ =	strace $0x9000004B  }
0x2e: {  	_ =	sfence  }
0x2f: {  	s30 =	sld [smem:$0x0];
	_ =	sdelay $0x2  }
0x30: {  	s31 =	sshll.u32 s1, $0xD;
	s1 =	sshrl.u32 s1, $0x2  }
0x31: {  	s3 =	sand.u32 $0x4000, s31;
	s1 =	sadd.s32 s1, s30  }
0x32: {  	s0 =	sor.u32 s3, s0;
	s1 =	sshll.u32 s1, $0x11  }
0x33: {  	s0 =	sor.u32 s1, s0  }
0x34: {  	s0 =	sadd.s32 $0x8F2B, s0  }
0x35: {  	[sflag:s0] =	ssyncadd.remote.s32 $0x1  }
0x36: {  	_ =	sfence.sel $0xFFFF  }
0x37: {  	[dreg:$0x0] =	wrdreg $0xFFFFFFFF;
	(pc) =	sbr.abs _section_cstart, $3  }
0x38: {  	[dreg:$0x1] =	wrdreg $0xFFFFFFFF  }
0x39: {  	_ =	task.clear_ibuf [dreg:s7], $0x2FFFF;
	_ =	strace $0x9FFFFFFF  }
0x3a: {  	(tm) =	ssettm $0x7FFFFFFF  }
0x3b: {  	_ =	shalt  }
tec
execute0_lowered:
.L_overlay_start_1:
0x0: {  	(tag) =	ssettag $0x1  }
0x1: {  	s0 =	srdreg.scid  }
0x2: {  	s1 =	sshll.u32 s0, $0x4  }
0x3: {  	s0 =	stileid.u32;
	s1 =	sand.u32 $0x10, s1  }
0x4: {  	s1 =	sor.u32 s0, s1  }
0x5: {  	s6 =	rddreg [dreg:$0x0];
	s4 =	simm.s32 $0x1;
	s2 =	sshll.u32 s1, $0x7  }
0x6: {  	s7 =	simm.s32 $0x2;
	s12 =	simm.s32 $0x0;
	s1 =	ssub.s32 $0x1000, s2  }
0x7: {  	s8 =	simm.s32 $0x8000;
	s13 =	simm.s32 $0x0;
	s3 =	sand.u32 $0xF80, s1  }
0x8: {  	s9 =	simm.s32 $0x0;
	s5 =	sshrl.u32 s1, $0xC;
	p0 =	sne.s32 s3, $0x0  }
.Ltmp0:
0x9: {  	s1 =	rddreg [dreg:$0x2];
	s4 =	simm.s32 @!p0 $0x0;
	(pc) =	sbr.rel .LBB1_1-.Ltmp0, $4  }
0xa: {  	s11 =	simm.s32 $0x0;
	s3 =	rddreg [dreg:$0x1];
	s5 =	sadd.s32 s4, s5  }
0xb: {  	_ =	strace $0x8000004A;
	s4 =	simm.s32 $0x1;
	s5 =	smul.u32 $0xC8, s5  }
0xc: {  	s6 =	sadd.s32 $0x800, s6;
	s10 =	smov.u32 s2;
	[sflag:s4] =	ssyncpa.u1 $0x0  }
0xd: {  	p0 =	por $0x0, $0x0;
	[sflag:s7] =	ssyncpa.u1 $0x0;
	s7 =	sor.u32 $0x1, s5  }
.LBB1_4:
0xe: {  	s16 =	sshll.u32 s13, $0x3;
	s17 =	sand.u32 $0x78, s13  }
0xf: {  	s30 =	sand.u32 $0x7E00, s13;
	s12 =	sshll.u32 s12, $0xF;
	s16 =	sand.u32 $0xC00, s16  }
0x10: {  	[tilespmem:s15+$0x810 ss:$0x81] =	vst.msk $0xffff, v2;
	s31 =	sand.u32 $0x7, s13;
	s16 =	sor.u32 s17, s16;
	s17 =	sadd.s32 s3, s30  }
0x11: {  	[tilespmem:s15+$0x1020 ss:$0x81] =	vst.msk $0xffff, v0;
	s13 =	sshll.u32 s31, $0x12;
	s12 =	sadd.s32 s12, s17;
	s16 =	sshrl.u32 s16, $0x3  }
0x12: {  	[tilespmem:s15+$0x0 ss:$0x81] =	vst.msk $0xffff, v1;
	s13 =	sor.u32 $0x400, s13;
	s12 =	sadd.s32 s16, s12  }
0x13: {  	[hbm4b:s12+s13] =	stream.strided.scatter [tilespmem:s14], [sflag:$0x2], $0x2000, s8, s13, $0x20;
	[tilespmem:$0x8080] =	vst v63  }
.LBB1_5:
0x14: {  	s14 =	sadd.s32 $0x1, s9  }
0x15: {  	s12 =	sadd.s32 $0x1000, s10;
	s16 =	smov.u32 s10;
	p2 =	sgt.s32 s14, $0xC7  }
0x16: {  	s16 =	smov.u32 @p2 s12  }
0x17: {  	s14 =	simm.s32 @p2 $0x0;
	p2 =	sgt.s32 s16, $0xFFF  }
0x18: {  	s16 =	smov.u32 @p2 s2;
	p2 =	sne.s32 s11, s7  }
.Ltmp1:
0x19: {  	p1 =	slt.u32 s11, $0x2;
	(pc) =	sbr.rel @!p2 .LBB1_6-.Ltmp1, $4  }
0x1a: {  	s15 =	simm.s32 @!p1 $0x2  }
0x1b: {  	s13 =	smov.u32 s10;
	p0 =	por !p0, !p0;
	_ =	swait.ge @!p1 [sflag:s15], $0x2000  }
0x1c: {  	s12 =	smov.u32 s9;
	[sflag:s15] =	ssyncset.done @!p1 $0x0;
	s9 =	smov.u32 s14  }
0x1d: {  	s11 =	sadd.s32 $0x1, s11;
	[sflag:s15] =	ssyncadd.s32 @!p1 $0xFFFFE000;
	s10 =	smov.u32 s16  }
.LBB1_1:
0x1e: {  	p1 =	sge.u32 s11, s5  }
0x1f: {  	s14 =	sand.u32 @!p1 $0x1FFFFFF, s9  }
0x20: {  	s15 =	smulhi.u32 @!p1 $0x147AE15, s14;
	_ =	sdelay $0x1  }
0x21: {  	s15 =	smul.u32 @!p1 $0xC8, s15  }
0x22: {  	s16 =	sxor.u32 @!p1 $0xFFFFFFFF, s11;
	s17 =	smul.u32 @!p1 $0xC80, s10  }
0x23: {  	s31 =	sadd.s32 $0xFFFFFFFF, s11;
	s16 =	sshll.u32 @!p1 s16, $0xD;
	s14 =	ssub.s32 @!p1 s14, s15  }
0x24: {  	s15 =	sand.u32 @!p1 $0x2000, s16;
	s16 =	sadd.s32 @!p1 s6, s17;
	s14 =	sshll.u32 @!p1 s14, $0x4  }
0x25: {  	s17 =	simm.s32 @!p1 $0x6400;
	s14 =	sadd.s32 @!p1 s14, s16;
	s16 =	simm.s32 @!p1 $0x40  }
0x26: {  	[tilespmem:s15], [sflag:$0x1] =	stream.strided.gather @!p1 [hbm4b:s14+s16], $0x2000, s17, s16, $0x38;
	[tilespmem:$0x8080] =	vst v63  }
0x27: {  	p1 =	sge.u32 s31, s5  }
.Ltmp2:
0x28: {  	_ = 	snop;
	(pc) =	sbr.rel @p1 .LBB1_5-.Ltmp2, $1  }
0x29: {  	_ =	sdelay $0x3  }
0x2a: {  	s14 =	simm.s32 $0x1  }
0x2b: {  	_ =	swait.ge [sflag:s4], $0x2000;
	s14 =	simm.s32 @!p0 $0x0  }
0x2c: {  	[sflag:s4] =	ssyncset.done $0x0;
	s15 =	sshll.u32 s14, $0xD  }
0x2d: {  	[sflag:s4] =	ssyncadd.s32 $0xFFFFE000;
	s18 =	sor.u32 $0x20, s15  }
0x2e: {  	s14 =	smul.u32 $0x8100, s14;
	v3 =	vld [tilespmem:s18+$0x10]  }
0x2f: {  	s30 =	sand.u32 $0x1, s11;
	v2 =	vld [tilespmem:s18+$0xFFFFFFF0]  }
0x30: {  	s15 =	smul.u32 $0x8100, s30;
	s14 =	sshrl.u32 s14, $0x2;
	v0 =	vld [tilespmem:s18+$0x0]  }
0x31: {  	v1 =	vld [tilespmem:s18+$0xFFFFFFE0];
	s16 =	sor.u32 $0x4000, s14  }
0x32: {  	s31 =	sshrl.u32 s15, $0x2;
	s15 =	sadd.s32 $0x0, s16  }
0x33: {  	s17 =	simm.s32 $0x4;
	s18 =	sadd.s32 $0x40, s18;
	s14 =	sor.u32 $0x4000, s31;
	[tilespmem:s15+$0x1830 ss:$0x81] =	vst.msk $0xffff, v3  }
.LBB1_3:
0x34: {  	v3 =	vld [tilespmem:s18+$0x10];
	p1 =	sne.s32 s17, $0x1FC;
	[tilespmem:s15+$0x810 ss:$0x81] =	vst.msk $0xffff, v2;
	s19 =	smov.u32 s17;
	s17 =	sadd.s32 $0x4, s17  }
.Ltmp3:
0x35: {  	v2 =	vld [tilespmem:s18+$0xFFFFFFF0];
	[tilespmem:s15+$0x1020 ss:$0x81] =	vst.msk $0xffff, v0;
	(pc) =	sbr.rel @p1 .LBB1_3-.Ltmp3, $4  }
0x36: {  	v0 =	vld [tilespmem:s18+$0x0];
	[tilespmem:s15+$0x0 ss:$0x81] =	vst.msk $0xffff, v1  }
0x37: {  	s15 =	sshra.s32 s19, $0x2;
	v1 =	vld [tilespmem:s18+$0xFFFFFFE0]  }
0x38: {  	s15 =	sadd.s32 s15, s16  }
0x39: {  	s18 =	sadd.s32 $0x40, s18;
	[tilespmem:s15+$0x1830 ss:$0x81] =	vst.msk $0xffff, v3  }
.Ltmp4:
0x3a: {  	_ = 	snop;
	(pc) =	sbr.rel .LBB1_4-.Ltmp4, $1  }
0x3b: {  	_ =	sdelay $0x3  }
.LBB1_6:
0x3c: {  	_ =	sfence.sel $0x180000  }
0x3d: {  	s2 =	simm.s32 $0x1;
	[bflag:$0x0] =	sbarrier.arrive $0xFFFF  }
0x3e: {  	s31 =	simm.s32 $0x2;
	[sflag:s2] =	ssyncpa.u1 $0x1  }
0x3f: {  	[sflag:s31] =	ssyncpa.u1 $0x1  }
0x40: {  	p0 =	sne.s32 s0, $0x0;
	_ =	strace $0x9000004A  }
0x41: {  	s0 =	sadd.s32 @!p0 $0x100000, s1;
	[bflag:$0x2] =	sbarrier.arrive $0xFFFF  }
0x42: {  	[sflag:s0] =	ssyncadd.tile.s32 @!p0 $0x1;
	_ =	shalt  }
.Lfunc_end1:
_tile_overlayer_lowered:
.L_overlay_start_2:
0x43: {  	(tag) =	ssettag $0x2  }
0x44: {  	s0 =	rddreg [dreg:$0x0];
	s2 =	stileid.u32  }
0x45: {  	s1 =	rddreg [dreg:$0x1];
	p0 =	sne.s32 s2, $0x0  }
0x46: {  	s3 =	rddreg [dreg:$0x2];
	[bflag:$0x3] =	sbarrier.arrive $0xFFFF;
	s2 =	simm.s32 @!p0 $0x1C01  }
0x47: {  	[timem:s3], [sflag:s2] =	dma.local @!p0 [hbm:s0], s1  }
0x48: {  	s0 =	simm.s32 @!p0 $0x1  }
0x49: {  	_ =	swait.ge @!p0 [sflag:s0], s1  }
0x4a: {  	s1 =	ssub.s32 @!p0 $0x0, s1;
	[sflag:s0] =	ssyncset.done @!p0 $0x0  }
0x4b: {  	[sflag:s0] =	ssyncadd.s32 @!p0 s1  }
0x4c: {  	[bflag:$0x3] =	sbarrier.arrive $0xFFFF  }
0x4d: {  	_ =	shalt  }

</sc_bundles>
